<compile_context>
chip_gen: v7x
topology: tpu7x:2x2x1
jax: 0.10.2.dev20260603
libtpu: 0.0.44.dev20260713+nightly
codegen_flags: <defaults>
</compile_context>

<pallas_src>
import jax
import jax.numpy as jnp
from jax import lax
from jax.experimental import pallas as pl
from jax.experimental.pallas import tpu as pltpu
from jax.experimental.pallas import tpu_sc as plsc

N = 10000
D = 128
H = 128
C = 40
E = 320000

NC = 2
NS = 16
NW = NC * NS
L = 16
CHUNK = 128
CHA = 95
CHB = 63
CHT = CHA + CHB
EPT = CHT * CHUNK
E_PAD = NS * EPT
PAD = E_PAD - E
N_PAD = 10112
NCH = N_PAD // CHUNK
NJR = -(-NCH // NS)

_f32 = jnp.float32


def _sc_agg_builder(with_cnt: bool):
  mesh = plsc.VectorSubcoreMesh(core_axis_name="c", subcore_axis_name="s")
  out_type = [jax.ShapeDtypeStruct((NC, N_PAD, H), _f32)]
  scratch = [
      pltpu.VMEM((CHUNK,), jnp.int32),
      pltpu.VMEM((CHUNK,), jnp.int32),
      pltpu.VMEM((CHUNK, H), _f32),
      pltpu.VMEM_SHARED((N_PAD, H), _f32),
      pltpu.SemaphoreType.DMA,
  ]
  if with_cnt:
    out_type.append(jax.ShapeDtypeStruct((NC, NS, N_PAD), _f32))
    scratch.append(pltpu.VMEM((N_PAD,), _f32))

  def body(table, srcp2, dstp2, zrows, *rest):
    if with_cnt:
      (out_acc, out_cnt, sidx, didx, rowsa, acc, sema, cnt_v) = rest
    else:
      (out_acc, sidx, didx, rowsa, acc, sema) = rest
    c = lax.axis_index("c")
    t = lax.axis_index("s")
    wid = t * NC + c

    pltpu.sync_copy(zrows, rowsa)

    def zstep(j, carry):
      k = t + NS * j
      @pl.when(k < NCH)
      def _():
        pltpu.sync_copy(rowsa, acc.at[pl.ds(k * CHUNK, CHUNK)])
      return carry

    lax.fori_loop(0, NJR, zstep, 0)
    if with_cnt:
      zv = jnp.zeros((L,), _f32)

      def czstep(i, carry):
        cnt_v[pl.ds(i * L, L)] = zv
        return carry

      lax.fori_loop(0, N_PAD // L, czstep, 0)
    plsc.subcore_barrier()

    onev = jnp.ones((L,), _f32)
    mk = jnp.ones((L,), jnp.bool_)
    base = t * EPT + jnp.where(c == 0, 0, CHA * CHUNK)
    my_ch = jnp.where(c == 0, CHA, CHB)

    def step(i, carry):
      @pl.when(i < my_ch)
      def _():
        off = base + i * CHUNK
        pltpu.sync_copy(srcp2.at[pl.ds(off, CHUNK)], sidx)
        g = pltpu.async_copy(table.at[sidx], rowsa, sema)
        pltpu.sync_copy(dstp2.at[pl.ds(off, CHUNK)], didx)
        if with_cnt:
          for l in range(CHUNK // L):
            idxv = didx[pl.ds(l * L, L)]
            plsc.addupdate_scatter(cnt_v, [idxv], onev, mask=mk)
        g.wait()
        pltpu.sync_copy(rowsa, acc.at[didx], add=True)
      return carry

    lax.fori_loop(0, max(CHA, CHB), step, 0)
    plsc.subcore_barrier()

    def ostep(j, carry):
      k = t + NS * j
      @pl.when(k < NCH)
      def _():
        sl = pl.ds(k * CHUNK, CHUNK)
        pltpu.sync_copy(acc.at[sl], rowsa)
        pltpu.sync_copy(rowsa, out_acc.at[c, sl])
      return carry

    lax.fori_loop(0, NJR, ostep, 0)
    if with_cnt:
      pltpu.sync_copy(cnt_v, out_cnt.at[c, t])

  return pl.kernel(
      body, out_type=out_type, mesh=mesh, scratch_types=scratch,
      compiler_params=pltpu.CompilerParams(needs_layout_passes=False))


_sc_agg_cnt = _sc_agg_builder(True)
_sc_agg = _sc_agg_builder(False)


RB = 1000


def _tc1_body(x_ref, wl_ref, wr_ref, b_ref, y_ref, z_ref):
  xb = x_ref[...]
  y_ref[...] = jnp.dot(xb, wl_ref[...], preferred_element_type=_f32)
  z_ref[...] = jnp.dot(xb, wr_ref[...], preferred_element_type=_f32) + b_ref[...]


def _tc2_body(aggp_ref, cntp_ref, z1_ref, wl_ref, wr_ref, b_ref,
              y2_ref, z2_ref, inv_ref):
  agg = aggp_ref[0] + aggp_ref[1]
  cnt = jnp.sum(cntp_ref[...], axis=1, keepdims=True)
  inv = 1.0 / jnp.maximum(cnt, 1.0)
  h = jnp.maximum(agg * inv + z1_ref[...], 0.0)
  y2_ref[...] = jnp.dot(h, wl_ref[...], preferred_element_type=_f32)
  z2_ref[...] = jnp.dot(h, wr_ref[...], preferred_element_type=_f32) + b_ref[...]
  inv_ref[...] = jnp.broadcast_to(inv, (RB, H))


def _tc3_body(aggp_ref, inv_ref, z2_ref, wc_ref, b_ref, o_ref):
  agg = aggp_ref[0] + aggp_ref[1]
  h2 = agg * inv_ref[:, 0:1] + z2_ref[...]
  o_ref[...] = jnp.dot(h2, wc_ref[...], preferred_element_type=_f32) + b_ref[...]


def _row_spec(shape):
  if len(shape) == 2:
    return pl.BlockSpec((RB, shape[1]), lambda i: (i, 0))
  return pl.BlockSpec((shape[0], RB, shape[2]), lambda i: (0, i, 0))


def _full_spec(shape):
  return pl.BlockSpec(shape, lambda i: tuple(0 for _ in shape))


def _tc_call(body, ins, outs):
  grid = (N // RB,)
  in_specs = []
  for a in ins:
    if a.shape[0] == N or (a.ndim == 3 and a.shape[1] == N):
      in_specs.append(_row_spec(a.shape))
    else:
      in_specs.append(_full_spec(a.shape))
  out_shape = [jax.ShapeDtypeStruct(s, _f32) for s in outs]
  out_specs = [pl.BlockSpec((RB, s[1]), lambda i: (i, 0)) for s in outs]
  return pl.pallas_call(
      body, grid=grid, in_specs=in_specs, out_specs=out_specs,
      out_shape=out_shape)(*ins)


def kernel(x, edge_index, W1l, b1, W1r, W2l, b2, W2r, Wc, bc):
  src = edge_index[0]
  dst = edge_index[1]
  srcp = jnp.concatenate([src, jnp.zeros((PAD,), jnp.int32)])
  dstp = jnp.concatenate([dst, jnp.full((PAD,), N, jnp.int32)])
  zrows = jnp.zeros((CHUNK, H), _f32)

  y1, z1 = _tc_call(_tc1_body, (x, W1l, W1r, b1.reshape(1, H)),
                    [(N, H), (N, H)])
  agg1p, cntp = _sc_agg_cnt(y1, srcp, dstp, zrows)
  cntp2 = cntp.reshape(NC * NS, N_PAD)[:, :N].T
  y2, z2, invc = _tc_call(
      _tc2_body, (agg1p[:, :N], cntp2, z1, W2l, W2r,
                  b2.reshape(1, H)),
      [(N, H), (N, H), (N, H)])
  (agg2p,) = _sc_agg(y2, srcp, dstp, zrows)
  (out,) = _tc_call(_tc3_body, (agg2p[:, :N], invc, z2, Wc, bc.reshape(1, C)),
                    [(N, C)])
  return out

# --- scband reference (transcript-rebuilt; emitter-appended) ---
"""Pipeline reference for scband-vanilla-gnn-23433341567764 (READ-ONLY COPY).

The authoritative reference and input builder live on the scoring server;
editing this copy changes nothing except your own understanding.
"""

import jax, jax.numpy as jnp
import numpy as np

N = 10000
E = 320000
D = 128
H = 128
C = 40


def setup_inputs(seed: int = 0) -> dict:
    key = jax.random.key(seed)
    ks = jax.random.split(key, 12)
    x = jax.random.normal(ks[0], (N, D), dtype=jnp.float32)
    edge_index = jax.random.randint(ks[1], (2, E), 0, N, dtype=jnp.int32)
    s1 = 1.0 / np.sqrt(D)
    s2 = 1.0 / np.sqrt(H)
    W1l = jax.random.normal(ks[2], (D, H), dtype=jnp.float32) * s1
    b1 = jnp.zeros((H,), dtype=jnp.float32)
    W1r = jax.random.normal(ks[3], (D, H), dtype=jnp.float32) * s1
    W2l = jax.random.normal(ks[4], (H, H), dtype=jnp.float32) * s2
    b2 = jnp.zeros((H,), dtype=jnp.float32)
    W2r = jax.random.normal(ks[5], (H, H), dtype=jnp.float32) * s2
    Wc = jax.random.normal(ks[6], (H, C), dtype=jnp.float32) * s2
    bc = jnp.zeros((C,), dtype=jnp.float32)
    return {"x": x, "edge_index": edge_index, "W1l": W1l, "b1": b1, "W1r": W1r,
            "W2l": W2l, "b2": b2, "W2r": W2r, "Wc": Wc, "bc": bc}


def _sage_conv(x, src, dst, Wl, bl, Wr, num_nodes):
    # message = x[src]; mean-aggregate by dst; out = lin_l(agg) + lin_r(x)
    msg = jnp.take(x, src, axis=0)
    agg = jax.ops.segment_sum(msg, dst, num_segments=num_nodes)
    cnt = jax.ops.segment_sum(jnp.ones((src.shape[0],), dtype=x.dtype), dst, num_segments=num_nodes)
    mean = agg / jnp.clip(cnt, 1.0, None)[:, None]
    return mean @ Wl + bl + x @ Wr


def reference(x, edge_index, W1l, b1, W1r, W2l, b2, W2r, Wc, bc):
    src = edge_index[0]
    dst = edge_index[1]
    h = _sage_conv(x, src, dst, W1l, b1, W1r, N)
    h = jax.nn.relu(h)
    # dropout is identity in eval mode
    h = _sage_conv(h, src, dst, W2l, b2, W2r, N)
    out = h @ Wc + bc
    return out

if __name__ == "__main__":
    import jax
    _d = setup_inputs()
    print(jax.jit(kernel)(*tuple(_d.values())))

</pallas_src>

<mosaic_0001>
#map = affine_map<(d0, d1) -> (0, 0)>
#map1 = affine_map<(d0, d1) -> (0)>
#map2 = affine_map<(d0, d1) -> (0, 0, 0)>
module attributes {stable_mosaic.version = 14 : i64} {
  func.func @body(%arg0: i32, %arg1: i32, %arg2: memref<10000x128xf32, #tpu.memory_space<hbm>>, %arg3: memref<323584xi32, #tpu.memory_space<hbm>>, %arg4: memref<323584xi32, #tpu.memory_space<hbm>>, %arg5: memref<128x128xf32, #tpu.memory_space<hbm>>, %arg6: memref<2x10112x128xf32, #tpu.memory_space<hbm>>, %arg7: memref<2x16x10112xf32, #tpu.memory_space<hbm>>, %arg8: memref<128xi32, #tpu.memory_space<vmem>>, %arg9: memref<128xi32, #tpu.memory_space<vmem>>, %arg10: memref<128x128xf32, #tpu.memory_space<vmem>>, %arg11: memref<10112x128xf32, #tpu.memory_space<vmem_shared>>, %arg12: memref<!tpu.dma_semaphore, #tpu.memory_space<semaphore_mem>>, %arg13: memref<10112xf32, #tpu.memory_space<vmem>>) attributes {dimension_semantics = [#tpu.dimension_semantics<core_parallel>, #tpu.dimension_semantics<subcore_parallel>], iteration_bounds = array<i64: 2, 16>, scalar_prefetch = 0 : i64, scratch_operands = 6 : i64, tpu.core_type = #tpu.core_type<sc_vector_subcore>, window_params = [{transform_indices = #map}, {transform_indices = #map1}, {transform_indices = #map1}, {transform_indices = #map}, {transform_indices = #map2}, {transform_indices = #map2}]} {
    %mul3A = arith.constant 2 : i32
    %mul3A_0 = arith.muli %arg1, %mul3A : i32
    %add3A = arith.addi %mul3A_0, %arg0 : i32
    "tpu.region"() ({
      %run_scoped3A = tpu.sem_alloc : memref<!tpu.dma_semaphore, #tpu.memory_space<semaphore_mem>>
      tpu.enqueue_dma source(%arg5 : memref<128x128xf32, #tpu.memory_space<hbm>>) target(%arg10 : memref<128x128xf32, #tpu.memory_space<vmem>>) target_semaphore(%run_scoped3A : memref<!tpu.dma_semaphore, #tpu.memory_space<semaphore_mem>>)
      tpu.wait_dma2 semaphore(%run_scoped3A : memref<!tpu.dma_semaphore, #tpu.memory_space<semaphore_mem>>) src(%arg5 : memref<128x128xf32, #tpu.memory_space<hbm>>) dst(%arg10 : memref<128x128xf32, #tpu.memory_space<vmem>>)
      tpu.yield
    }) : () -> ()
    %scan3A = arith.constant 0 : i32
    %scan3A_1 = arith.constant 0 : i32
    %scan3A_2 = arith.constant 5 : i32
    %scan3A_3 = arith.addi %scan3A_1, %scan3A_2 : i32
    %scan3A_4 = arith.constant 1 : i32
    scf.for %scan3A_40 = %scan3A_1 to %scan3A_3 step %scan3A_4  : i32 {
      %mul3A_41 = arith.constant 16 : i32
      %mul3A_42 = arith.muli %mul3A_41, %scan3A_40 : i32
      %add3A_43 = arith.addi %arg1, %mul3A_42 : i32
      %lt3A = arith.constant 79 : i32
      %lt3A_44 = arith.cmpi slt, %add3A_43, %lt3A : i32
      %convert_element_type3A = arith.extui %lt3A_44 : i1 to i32
      %cond3A = arith.constant 0 : i32
      %cond3A_45 = arith.cmpi ne, %convert_element_type3A, %cond3A : i32
      scf.if %cond3A_45 {
        %mul3A_46 = arith.constant 128 : i32
        %mul3A_47 = arith.muli %add3A_43, %mul3A_46 : i32
        "tpu.region"() ({
          %run_scoped3A = tpu.sem_alloc : memref<!tpu.dma_semaphore, #tpu.memory_space<semaphore_mem>>
          %dma_start3A = arith.constant 0 : i32
          %dma_start3A_48 = tpu.memref_slice %arg11[%mul3A_47, %dma_start3A] : memref<10112x128xf32, #tpu.memory_space<vmem_shared>> -> memref<128x128xf32, #tpu.memory_space<vmem_shared>>
          %dma_start3A_49 = arith.constant 0 : i32
          %dma_start3A_50 = tpu.memref_slice %arg11[%mul3A_47, %dma_start3A_49] : memref<10112x128xf32, #tpu.memory_space<vmem_shared>> -> memref<128x128xf32, #tpu.memory_space<vmem_shared>>
          tpu.enqueue_dma source(%arg10 : memref<128x128xf32, #tpu.memory_space<vmem>>) target(%dma_start3A_50 : memref<128x128xf32, #tpu.memory_space<vmem_shared>>) target_semaphore(%run_scoped3A : memref<!tpu.dma_semaphore, #tpu.memory_space<semaphore_mem>>)
          %dma_wait3A = arith.constant 0 : i32
          %dma_wait3A_51 = tpu.memref_slice %arg11[%mul3A_47, %dma_wait3A] : memref<10112x128xf32, #tpu.memory_space<vmem_shared>> -> memref<128x128xf32, #tpu.memory_space<vmem_shared>>
          %dma_wait3A_52 = arith.constant 0 : i32
          %dma_wait3A_53 = tpu.memref_slice %arg11[%mul3A_47, %dma_wait3A_52] : memref<10112x128xf32, #tpu.memory_space<vmem_shared>> -> memref<128x128xf32, #tpu.memory_space<vmem_shared>>
          tpu.wait_dma2 semaphore(%run_scoped3A : memref<!tpu.dma_semaphore, #tpu.memory_space<semaphore_mem>>) src(%arg10 : memref<128x128xf32, #tpu.memory_space<vmem>>) dst(%dma_wait3A_53 : memref<128x128xf32, #tpu.memory_space<vmem_shared>>)
          tpu.yield
        }) : () -> ()
      } else {
      }
    }
    %scan3A_5 = arith.constant 5 : i32
    %broadcast_in_dim3A = arith.constant 0.000000e+00 : f32
    %broadcast_in_dim3A_6 = vector.broadcast %broadcast_in_dim3A : f32 to vector<16xf32>
    %scan3A_7 = arith.constant 0 : i32
    %scan3A_8 = arith.constant 0 : i32
    %scan3A_9 = arith.constant 632 : i32
    %scan3A_10 = arith.addi %scan3A_8, %scan3A_9 : i32
    %scan3A_11 = arith.constant 1 : i32
    scf.for %scan3A_40 = %scan3A_8 to %scan3A_10 step %scan3A_11  : i32 {
      %mul3A_41 = arith.constant 16 : i32
      %mul3A_42 = arith.muli %scan3A_40, %mul3A_41 : i32
      %swap3A = arith.index_cast %mul3A_42 : i32 to index
      %swap3A_43 = tpu.vector_load %arg13[%swap3A] {strides = array<i32>} : memref<10112xf32, #tpu.memory_space<vmem>>, vector<16xf32>,
      tpu.vector_store %arg13[%swap3A], %broadcast_in_dim3A_6 {strides = array<i32>} : memref<10112xf32, #tpu.memory_space<vmem>>, vector<16xf32>,
    }
    %scan3A_12 = arith.constant 632 : i32
    %barrier3A = arith.constant 0 : index
    tpu.barrier barrier_id(%barrier3A)
    %broadcast_in_dim3A_13 = arith.constant 1.000000e+00 : f32
    %broadcast_in_dim3A_14 = vector.broadcast %broadcast_in_dim3A_13 : f32 to vector<16xf32>
    %broadcast_in_dim3A_15 = arith.constant true
    %broadcast_in_dim3A_16 = vector.broadcast %broadcast_in_dim3A_15 : i1 to vector<16xi1>
    %mul3A_17 = arith.constant 20224 : i32
    %mul3A_18 = arith.muli %arg1, %mul3A_17 : i32
    %eq3A = arith.constant 0 : i32
    %eq3A_19 = arith.cmpi eq, %arg0, %eq3A : i32
    %jit3A = arith.constant 0 : i32
    %jit3A_20 = arith.constant 12160 : i32
    %select_n3A = arith.select %eq3A_19, %jit3A, %jit3A_20 : i32
    %add3A_21 = arith.addi %mul3A_18, %select_n3A : i32
    %eq3A_22 = arith.constant 0 : i32
    %eq3A_23 = arith.cmpi eq, %arg0, %eq3A_22 : i32
    %jit3A_24 = arith.constant 95 : i32
    %jit3A_25 = arith.constant 63 : i32
    %select_n3A_26 = arith.select %eq3A_23, %jit3A_24, %jit3A_25 : i32
    %scan3A_27 = arith.constant 0 : i32
    %scan3A_28 = arith.constant 0 : i32
    %scan3A_29 = arith.constant 95 : i32
    %scan3A_30 = arith.addi %scan3A_28, %scan3A_29 : i32
    %scan3A_31 = arith.constant 1 : i32
    scf.for %scan3A_40 = %scan3A_28 to %scan3A_30 step %scan3A_31  : i32 {
      %lt3A = arith.cmpi slt, %scan3A_40, %select_n3A_26 : i32
      %convert_element_type3A = arith.extui %lt3A : i1 to i32
      %cond3A = arith.constant 0 : i32
      %cond3A_41 = arith.cmpi ne, %convert_element_type3A, %cond3A : i32
      scf.if %cond3A_41 {
        %mul3A_42 = arith.constant 128 : i32
        %mul3A_43 = arith.muli %scan3A_40, %mul3A_42 : i32
        %add3A_44 = arith.addi %add3A_21, %mul3A_43 : i32
        "tpu.region"() ({
          %run_scoped3A = tpu.sem_alloc : memref<!tpu.dma_semaphore, #tpu.memory_space<semaphore_mem>>
          %dma_start3A_64 = tpu.memref_slice %arg3[%add3A_44] : memref<323584xi32, #tpu.memory_space<hbm>> -> memref<128xi32, #tpu.memory_space<hbm>>
          %dma_start3A_65 = tpu.memref_slice %arg3[%add3A_44] : memref<323584xi32, #tpu.memory_space<hbm>> -> memref<128xi32, #tpu.memory_space<hbm>>
          tpu.enqueue_dma source(%dma_start3A_65 : memref<128xi32, #tpu.memory_space<hbm>>) target(%arg8 : memref<128xi32, #tpu.memory_space<vmem>>) target_semaphore(%run_scoped3A : memref<!tpu.dma_semaphore, #tpu.memory_space<semaphore_mem>>)
          %dma_wait3A_66 = tpu.memref_slice %arg3[%add3A_44] : memref<323584xi32, #tpu.memory_space<hbm>> -> memref<128xi32, #tpu.memory_space<hbm>>
          %dma_wait3A_67 = tpu.memref_slice %arg3[%add3A_44] : memref<323584xi32, #tpu.memory_space<hbm>> -> memref<128xi32, #tpu.memory_space<hbm>>
          tpu.wait_dma2 semaphore(%run_scoped3A : memref<!tpu.dma_semaphore, #tpu.memory_space<semaphore_mem>>) src(%dma_wait3A_67 : memref<128xi32, #tpu.memory_space<hbm>>) dst(%arg8 : memref<128xi32, #tpu.memory_space<vmem>>)
          tpu.yield
        }) : () -> ()
        %dma_start3A = arith.constant 0 : i32
        %dma_start3A_45 = arith.constant 0 : i32
        %dma_start3A_46 = tpu.memref_slice %arg2[%dma_start3A, %dma_start3A_45] : memref<10000x128xf32, #tpu.memory_space<hbm>> -> memref<10000x128xf32, #tpu.memory_space<hbm>>
        tpu.enqueue_indirect_dma source(%dma_start3A_46 : memref<10000x128xf32, #tpu.memory_space<hbm>>) target(%arg10 : memref<128x128xf32, #tpu.memory_space<vmem>>) offsets(%arg8 : memref<128xi32, #tpu.memory_space<vmem>>) semaphore(%arg12 : memref<!tpu.dma_semaphore, #tpu.memory_space<semaphore_mem>>)
        "tpu.region"() ({
          %run_scoped3A = tpu.sem_alloc : memref<!tpu.dma_semaphore, #tpu.memory_space<semaphore_mem>>
          %dma_start3A_64 = tpu.memref_slice %arg4[%add3A_44] : memref<323584xi32, #tpu.memory_space<hbm>> -> memref<128xi32, #tpu.memory_space<hbm>>
          %dma_start3A_65 = tpu.memref_slice %arg4[%add3A_44] : memref<323584xi32, #tpu.memory_space<hbm>> -> memref<128xi32, #tpu.memory_space<hbm>>
          tpu.enqueue_dma source(%dma_start3A_65 : memref<128xi32, #tpu.memory_space<hbm>>) target(%arg9 : memref<128xi32, #tpu.memory_space<vmem>>) target_semaphore(%run_scoped3A : memref<!tpu.dma_semaphore, #tpu.memory_space<semaphore_mem>>)
          %dma_wait3A_66 = tpu.memref_slice %arg4[%add3A_44] : memref<323584xi32, #tpu.memory_space<hbm>> -> memref<128xi32, #tpu.memory_space<hbm>>
          %dma_wait3A_67 = tpu.memref_slice %arg4[%add3A_44] : memref<323584xi32, #tpu.memory_space<hbm>> -> memref<128xi32, #tpu.memory_space<hbm>>
          tpu.wait_dma2 semaphore(%run_scoped3A : memref<!tpu.dma_semaphore, #tpu.memory_space<semaphore_mem>>) src(%dma_wait3A_67 : memref<128xi32, #tpu.memory_space<hbm>>) dst(%arg9 : memref<128xi32, #tpu.memory_space<vmem>>)
          tpu.yield
        }) : () -> ()
        %get3A = arith.constant 0 : index
        %get3A_47 = tpu.vector_load %arg9[%get3A] {strides = array<i32>} : memref<128xi32, #tpu.memory_space<vmem>>, vector<16xi32>,
        tpu.vector_store_idx %arg13[%get3A_47], %broadcast_in_dim3A_14 masked %broadcast_in_dim3A_16 {add = true} : memref<10112xf32, #tpu.memory_space<vmem>>[vector<16xi32>], vector<16xf32>, vector<16xi1>
        %get3A_48 = arith.constant 16 : index
        %get3A_49 = tpu.vector_load %arg9[%get3A_48] {strides = array<i32>} : memref<128xi32, #tpu.memory_space<vmem>>, vector<16xi32>,
        tpu.vector_store_idx %arg13[%get3A_49], %broadcast_in_dim3A_14 masked %broadcast_in_dim3A_16 {add = true} : memref<10112xf32, #tpu.memory_space<vmem>>[vector<16xi32>], vector<16xf32>, vector<16xi1>
        %get3A_50 = arith.constant 32 : index
        %get3A_51 = tpu.vector_load %arg9[%get3A_50] {strides = array<i32>} : memref<128xi32, #tpu.memory_space<vmem>>, vector<16xi32>,
        tpu.vector_store_idx %arg13[%get3A_51], %broadcast_in_dim3A_14 masked %broadcast_in_dim3A_16 {add = true} : memref<10112xf32, #tpu.memory_space<vmem>>[vector<16xi32>], vector<16xf32>, vector<16xi1>
        %get3A_52 = arith.constant 48 : index
        %get3A_53 = tpu.vector_load %arg9[%get3A_52] {strides = array<i32>} : memref<128xi32, #tpu.memory_space<vmem>>, vector<16xi32>,
        tpu.vector_store_idx %arg13[%get3A_53], %broadcast_in_dim3A_14 masked %broadcast_in_dim3A_16 {add = true} : memref<10112xf32, #tpu.memory_space<vmem>>[vector<16xi32>], vector<16xf32>, vector<16xi1>
        %get3A_54 = arith.constant 64 : index
        %get3A_55 = tpu.vector_load %arg9[%get3A_54] {strides = array<i32>} : memref<128xi32, #tpu.memory_space<vmem>>, vector<16xi32>,
        tpu.vector_store_idx %arg13[%get3A_55], %broadcast_in_dim3A_14 masked %broadcast_in_dim3A_16 {add = true} : memref<10112xf32, #tpu.memory_space<vmem>>[vector<16xi32>], vector<16xf32>, vector<16xi1>
        %get3A_56 = arith.constant 80 : index
        %get3A_57 = tpu.vector_load %arg9[%get3A_56] {strides = array<i32>} : memref<128xi32, #tpu.memory_space<vmem>>, vector<16xi32>,
        tpu.vector_store_idx %arg13[%get3A_57], %broadcast_in_dim3A_14 masked %broadcast_in_dim3A_16 {add = true} : memref<10112xf32, #tpu.memory_space<vmem>>[vector<16xi32>], vector<16xf32>, vector<16xi1>
        %get3A_58 = arith.constant 96 : index
        %get3A_59 = tpu.vector_load %arg9[%get3A_58] {strides = array<i32>} : memref<128xi32, #tpu.memory_space<vmem>>, vector<16xi32>,
        tpu.vector_store_idx %arg13[%get3A_59], %broadcast_in_dim3A_14 masked %broadcast_in_dim3A_16 {add = true} : memref<10112xf32, #tpu.memory_space<vmem>>[vector<16xi32>], vector<16xf32>, vector<16xi1>
        %get3A_60 = arith.constant 112 : index
        %get3A_61 = tpu.vector_load %arg9[%get3A_60] {strides = array<i32>} : memref<128xi32, #tpu.memory_space<vmem>>, vector<16xi32>,
        tpu.vector_store_idx %arg13[%get3A_61], %broadcast_in_dim3A_14 masked %broadcast_in_dim3A_16 {add = true} : memref<10112xf32, #tpu.memory_space<vmem>>[vector<16xi32>], vector<16xf32>, vector<16xi1>
        %dma_wait3A = arith.constant 0 : i32
        %dma_wait3A_62 = arith.constant 0 : i32
        %dma_wait3A_63 = tpu.memref_slice %arg2[%dma_wait3A, %dma_wait3A_62] : memref<10000x128xf32, #tpu.memory_space<hbm>> -> memref<10000x128xf32, #tpu.memory_space<hbm>>
        tpu.wait_indirect_dma semaphore(%arg12 : memref<!tpu.dma_semaphore, #tpu.memory_space<semaphore_mem>>) src(%dma_wait3A_63 : memref<10000x128xf32, #tpu.memory_space<hbm>>) dst(%arg10 : memref<128x128xf32, #tpu.memory_space<vmem>>)
        "tpu.region"() ({
          %run_scoped3A = tpu.sem_alloc : memref<!tpu.dma_semaphore, #tpu.memory_space<semaphore_mem>>
          %dma_start3A_64 = arith.constant 0 : i32
          %dma_start3A_65 = arith.constant 0 : i32
          %dma_start3A_66 = tpu.memref_slice %arg11[%dma_start3A_64, %dma_start3A_65] : memref<10112x128xf32, #tpu.memory_space<vmem_shared>> -> memref<10112x128xf32, #tpu.memory_space<vmem_shared>>
          tpu.enqueue_indirect_dma source(%arg10 : memref<128x128xf32, #tpu.memory_space<vmem>>) target(%dma_start3A_66 : memref<10112x128xf32, #tpu.memory_space<vmem_shared>>) offsets(%arg9 : memref<128xi32, #tpu.memory_space<vmem>>) semaphore(%run_scoped3A : memref<!tpu.dma_semaphore, #tpu.memory_space<semaphore_mem>>) {add = true}
          %dma_wait3A_67 = arith.constant 0 : i32
          %dma_wait3A_68 = arith.constant 0 : i32
          %dma_wait3A_69 = tpu.memref_slice %arg11[%dma_wait3A_67, %dma_wait3A_68] : memref<10112x128xf32, #tpu.memory_space<vmem_shared>> -> memref<10112x128xf32, #tpu.memory_space<vmem_shared>>
          tpu.wait_indirect_dma semaphore(%run_scoped3A : memref<!tpu.dma_semaphore, #tpu.memory_space<semaphore_mem>>) src(%arg10 : memref<128x128xf32, #tpu.memory_space<vmem>>) dst(%dma_wait3A_69 : memref<10112x128xf32, #tpu.memory_space<vmem_shared>>)
          tpu.yield
        }) : () -> ()
      } else {
      }
    }
    %scan3A_32 = arith.constant 95 : i32
    %barrier3A_33 = arith.constant 0 : index
    tpu.barrier barrier_id(%barrier3A_33)
    %scan3A_34 = arith.constant 0 : i32
    %scan3A_35 = arith.constant 0 : i32
    %scan3A_36 = arith.constant 5 : i32
    %scan3A_37 = arith.addi %scan3A_35, %scan3A_36 : i32
    %scan3A_38 = arith.constant 1 : i32
    scf.for %scan3A_40 = %scan3A_35 to %scan3A_37 step %scan3A_38  : i32 {
      %mul3A_41 = arith.constant 16 : i32
      %mul3A_42 = arith.muli %mul3A_41, %scan3A_40 : i32
      %add3A_43 = arith.addi %arg1, %mul3A_42 : i32
      %lt3A = arith.constant 79 : i32
      %lt3A_44 = arith.cmpi slt, %add3A_43, %lt3A : i32
      %convert_element_type3A = arith.extui %lt3A_44 : i1 to i32
      %cond3A = arith.constant 0 : i32
      %cond3A_45 = arith.cmpi ne, %convert_element_type3A, %cond3A : i32
      scf.if %cond3A_45 {
        %mul3A_46 = arith.constant 128 : i32
        %mul3A_47 = arith.muli %add3A_43, %mul3A_46 : i32
        "tpu.region"() ({
          %run_scoped3A = tpu.sem_alloc : memref<!tpu.dma_semaphore, #tpu.memory_space<semaphore_mem>>
          %dma_start3A = arith.constant 0 : i32
          %dma_start3A_48 = tpu.memref_slice %arg11[%mul3A_47, %dma_start3A] : memref<10112x128xf32, #tpu.memory_space<vmem_shared>> -> memref<128x128xf32, #tpu.memory_space<vmem_shared>>
          %dma_start3A_49 = arith.constant 0 : i32
          %dma_start3A_50 = tpu.memref_slice %arg11[%mul3A_47, %dma_start3A_49] : memref<10112x128xf32, #tpu.memory_space<vmem_shared>> -> memref<128x128xf32, #tpu.memory_space<vmem_shared>>
          tpu.enqueue_dma source(%dma_start3A_50 : memref<128x128xf32, #tpu.memory_space<vmem_shared>>) target(%arg10 : memref<128x128xf32, #tpu.memory_space<vmem>>) target_semaphore(%run_scoped3A : memref<!tpu.dma_semaphore, #tpu.memory_space<semaphore_mem>>)
          %dma_wait3A = arith.constant 0 : i32
          %dma_wait3A_51 = tpu.memref_slice %arg11[%mul3A_47, %dma_wait3A] : memref<10112x128xf32, #tpu.memory_space<vmem_shared>> -> memref<128x128xf32, #tpu.memory_space<vmem_shared>>
          %dma_wait3A_52 = arith.constant 0 : i32
          %dma_wait3A_53 = tpu.memref_slice %arg11[%mul3A_47, %dma_wait3A_52] : memref<10112x128xf32, #tpu.memory_space<vmem_shared>> -> memref<128x128xf32, #tpu.memory_space<vmem_shared>>
          tpu.wait_dma2 semaphore(%run_scoped3A : memref<!tpu.dma_semaphore, #tpu.memory_space<semaphore_mem>>) src(%dma_wait3A_53 : memref<128x128xf32, #tpu.memory_space<vmem_shared>>) dst(%arg10 : memref<128x128xf32, #tpu.memory_space<vmem>>)
          tpu.yield
        }) : () -> ()
        "tpu.region"() ({
          %run_scoped3A = tpu.sem_alloc : memref<!tpu.dma_semaphore, #tpu.memory_space<semaphore_mem>>
          %dma_start3A = arith.constant 0 : i32
          %dma_start3A_48 = tpu.memref_slice %arg6[%arg0, %mul3A_47, %dma_start3A] : memref<2x10112x128xf32, #tpu.memory_space<hbm>> -> memref<1x128x128xf32, #tpu.memory_space<hbm>>
          %dma_start3A_49 = tpu.memref_squeeze %dma_start3A_48 : memref<1x128x128xf32, #tpu.memory_space<hbm>> -> memref<128x128xf32, #tpu.memory_space<hbm>>
          %dma_start3A_50 = arith.constant 0 : i32
          %dma_start3A_51 = tpu.memref_slice %arg6[%arg0, %mul3A_47, %dma_start3A_50] : memref<2x10112x128xf32, #tpu.memory_space<hbm>> -> memref<1x128x128xf32, #tpu.memory_space<hbm>>
          %dma_start3A_52 = tpu.memref_squeeze %dma_start3A_51 : memref<1x128x128xf32, #tpu.memory_space<hbm>> -> memref<128x128xf32, #tpu.memory_space<hbm>>
          tpu.enqueue_dma source(%arg10 : memref<128x128xf32, #tpu.memory_space<vmem>>) target(%dma_start3A_52 : memref<128x128xf32, #tpu.memory_space<hbm>>) target_semaphore(%run_scoped3A : memref<!tpu.dma_semaphore, #tpu.memory_space<semaphore_mem>>)
          %dma_wait3A = arith.constant 0 : i32
          %dma_wait3A_53 = tpu.memref_slice %arg6[%arg0, %mul3A_47, %dma_wait3A] : memref<2x10112x128xf32, #tpu.memory_space<hbm>> -> memref<1x128x128xf32, #tpu.memory_space<hbm>>
          %dma_wait3A_54 = tpu.memref_squeeze %dma_wait3A_53 : memref<1x128x128xf32, #tpu.memory_space<hbm>> -> memref<128x128xf32, #tpu.memory_space<hbm>>
          %dma_wait3A_55 = arith.constant 0 : i32
          %dma_wait3A_56 = tpu.memref_slice %arg6[%arg0, %mul3A_47, %dma_wait3A_55] : memref<2x10112x128xf32, #tpu.memory_space<hbm>> -> memref<1x128x128xf32, #tpu.memory_space<hbm>>
          %dma_wait3A_57 = tpu.memref_squeeze %dma_wait3A_56 : memref<1x128x128xf32, #tpu.memory_space<hbm>> -> memref<128x128xf32, #tpu.memory_space<hbm>>
          tpu.wait_dma2 semaphore(%run_scoped3A : memref<!tpu.dma_semaphore, #tpu.memory_space<semaphore_mem>>) src(%arg10 : memref<128x128xf32, #tpu.memory_space<vmem>>) dst(%dma_wait3A_57 : memref<128x128xf32, #tpu.memory_space<hbm>>)
          tpu.yield
        }) : () -> ()
      } else {
      }
    }
    %scan3A_39 = arith.constant 5 : i32
    "tpu.region"() ({
      %run_scoped3A = tpu.sem_alloc : memref<!tpu.dma_semaphore, #tpu.memory_space<semaphore_mem>>
      %dma_start3A = arith.constant 0 : i32
      %dma_start3A_40 = tpu.memref_slice %arg7[%arg0, %arg1, %dma_start3A] : memref<2x16x10112xf32, #tpu.memory_space<hbm>> -> memref<1x1x10112xf32, #tpu.memory_space<hbm>>
      %dma_start3A_41 = tpu.memref_squeeze %dma_start3A_40 : memref<1x1x10112xf32, #tpu.memory_space<hbm>> -> memref<10112xf32, #tpu.memory_space<hbm>>
      %dma_start3A_42 = arith.constant 0 : i32
      %dma_start3A_43 = tpu.memref_slice %arg7[%arg0, %arg1, %dma_start3A_42] : memref<2x16x10112xf32, #tpu.memory_space<hbm>> -> memref<1x1x10112xf32, #tpu.memory_space<hbm>>
      %dma_start3A_44 = tpu.memref_squeeze %dma_start3A_43 : memref<1x1x10112xf32, #tpu.memory_space<hbm>> -> memref<10112xf32, #tpu.memory_space<hbm>>
      tpu.enqueue_dma source(%arg13 : memref<10112xf32, #tpu.memory_space<vmem>>) target(%dma_start3A_44 : memref<10112xf32, #tpu.memory_space<hbm>>) target_semaphore(%run_scoped3A : memref<!tpu.dma_semaphore, #tpu.memory_space<semaphore_mem>>)
      %dma_wait3A = arith.constant 0 : i32
      %dma_wait3A_45 = tpu.memref_slice %arg7[%arg0, %arg1, %dma_wait3A] : memref<2x16x10112xf32, #tpu.memory_space<hbm>> -> memref<1x1x10112xf32, #tpu.memory_space<hbm>>
      %dma_wait3A_46 = tpu.memref_squeeze %dma_wait3A_45 : memref<1x1x10112xf32, #tpu.memory_space<hbm>> -> memref<10112xf32, #tpu.memory_space<hbm>>
      %dma_wait3A_47 = arith.constant 0 : i32
      %dma_wait3A_48 = tpu.memref_slice %arg7[%arg0, %arg1, %dma_wait3A_47] : memref<2x16x10112xf32, #tpu.memory_space<hbm>> -> memref<1x1x10112xf32, #tpu.memory_space<hbm>>
      %dma_wait3A_49 = tpu.memref_squeeze %dma_wait3A_48 : memref<1x1x10112xf32, #tpu.memory_space<hbm>> -> memref<10112xf32, #tpu.memory_space<hbm>>
      tpu.wait_dma2 semaphore(%run_scoped3A : memref<!tpu.dma_semaphore, #tpu.memory_space<semaphore_mem>>) src(%arg13 : memref<10112xf32, #tpu.memory_space<vmem>>) dst(%dma_wait3A_49 : memref<10112xf32, #tpu.memory_space<hbm>>)
      tpu.yield
    }) : () -> ()
    return
  }
}

#map = affine_map<(d0, d1) -> (0, 0)>
#map1 = affine_map<(d0, d1) -> (0)>
#map2 = affine_map<(d0, d1) -> (0, 0, 0)>
module attributes {stable_mosaic.version = 14 : i64} {
  func.func @body(%arg0: i32, %arg1: i32, %arg2: memref<10000x128xf32, #tpu.memory_space<hbm>>, %arg3: memref<323584xi32, #tpu.memory_space<hbm>>, %arg4: memref<323584xi32, #tpu.memory_space<hbm>>, %arg5: memref<128x128xf32, #tpu.memory_space<hbm>>, %arg6: memref<2x10112x128xf32, #tpu.memory_space<hbm>>, %arg7: memref<128xi32, #tpu.memory_space<vmem>>, %arg8: memref<128xi32, #tpu.memory_space<vmem>>, %arg9: memref<128x128xf32, #tpu.memory_space<vmem>>, %arg10: memref<10112x128xf32, #tpu.memory_space<vmem_shared>>, %arg11: memref<!tpu.dma_semaphore, #tpu.memory_space<semaphore_mem>>) attributes {dimension_semantics = [#tpu.dimension_semantics<core_parallel>, #tpu.dimension_semantics<subcore_parallel>], iteration_bounds = array<i64: 2, 16>, scalar_prefetch = 0 : i64, scratch_operands = 5 : i64, tpu.core_type = #tpu.core_type<sc_vector_subcore>, window_params = [{transform_indices = #map}, {transform_indices = #map1}, {transform_indices = #map1}, {transform_indices = #map}, {transform_indices = #map2}]} {
    %mul3A = arith.constant 2 : i32
    %mul3A_0 = arith.muli %arg1, %mul3A : i32
    %add3A = arith.addi %mul3A_0, %arg0 : i32
    "tpu.region"() ({
      %run_scoped3A = tpu.sem_alloc : memref<!tpu.dma_semaphore, #tpu.memory_space<semaphore_mem>>
      tpu.enqueue_dma source(%arg5 : memref<128x128xf32, #tpu.memory_space<hbm>>) target(%arg9 : memref<128x128xf32, #tpu.memory_space<vmem>>) target_semaphore(%run_scoped3A : memref<!tpu.dma_semaphore, #tpu.memory_space<semaphore_mem>>)
      tpu.wait_dma2 semaphore(%run_scoped3A : memref<!tpu.dma_semaphore, #tpu.memory_space<semaphore_mem>>) src(%arg5 : memref<128x128xf32, #tpu.memory_space<hbm>>) dst(%arg9 : memref<128x128xf32, #tpu.memory_space<vmem>>)
      tpu.yield
    }) : () -> ()
    %scan3A = arith.constant 0 : i32
    %scan3A_1 = arith.constant 0 : i32
    %scan3A_2 = arith.constant 5 : i32
    %scan3A_3 = arith.addi %scan3A_1, %scan3A_2 : i32
    %scan3A_4 = arith.constant 1 : i32
    scf.for %scan3A_32 = %scan3A_1 to %scan3A_3 step %scan3A_4  : i32 {
      %mul3A_33 = arith.constant 16 : i32
      %mul3A_34 = arith.muli %mul3A_33, %scan3A_32 : i32
      %add3A_35 = arith.addi %arg1, %mul3A_34 : i32
      %lt3A = arith.constant 79 : i32
      %lt3A_36 = arith.cmpi slt, %add3A_35, %lt3A : i32
      %convert_element_type3A = arith.extui %lt3A_36 : i1 to i32
      %cond3A = arith.constant 0 : i32
      %cond3A_37 = arith.cmpi ne, %convert_element_type3A, %cond3A : i32
      scf.if %cond3A_37 {
        %mul3A_38 = arith.constant 128 : i32
        %mul3A_39 = arith.muli %add3A_35, %mul3A_38 : i32
        "tpu.region"() ({
          %run_scoped3A = tpu.sem_alloc : memref<!tpu.dma_semaphore, #tpu.memory_space<semaphore_mem>>
          %dma_start3A = arith.constant 0 : i32
          %dma_start3A_40 = tpu.memref_slice %arg10[%mul3A_39, %dma_start3A] : memref<10112x128xf32, #tpu.memory_space<vmem_shared>> -> memref<128x128xf32, #tpu.memory_space<vmem_shared>>
          %dma_start3A_41 = arith.constant 0 : i32
          %dma_start3A_42 = tpu.memref_slice %arg10[%mul3A_39, %dma_start3A_41] : memref<10112x128xf32, #tpu.memory_space<vmem_shared>> -> memref<128x128xf32, #tpu.memory_space<vmem_shared>>
          tpu.enqueue_dma source(%arg9 : memref<128x128xf32, #tpu.memory_space<vmem>>) target(%dma_start3A_42 : memref<128x128xf32, #tpu.memory_space<vmem_shared>>) target_semaphore(%run_scoped3A : memref<!tpu.dma_semaphore, #tpu.memory_space<semaphore_mem>>)
          %dma_wait3A = arith.constant 0 : i32
          %dma_wait3A_43 = tpu.memref_slice %arg10[%mul3A_39, %dma_wait3A] : memref<10112x128xf32, #tpu.memory_space<vmem_shared>> -> memref<128x128xf32, #tpu.memory_space<vmem_shared>>
          %dma_wait3A_44 = arith.constant 0 : i32
          %dma_wait3A_45 = tpu.memref_slice %arg10[%mul3A_39, %dma_wait3A_44] : memref<10112x128xf32, #tpu.memory_space<vmem_shared>> -> memref<128x128xf32, #tpu.memory_space<vmem_shared>>
          tpu.wait_dma2 semaphore(%run_scoped3A : memref<!tpu.dma_semaphore, #tpu.memory_space<semaphore_mem>>) src(%arg9 : memref<128x128xf32, #tpu.memory_space<vmem>>) dst(%dma_wait3A_45 : memref<128x128xf32, #tpu.memory_space<vmem_shared>>)
          tpu.yield
        }) : () -> ()
      } else {
      }
    }
    %scan3A_5 = arith.constant 5 : i32
    %barrier3A = arith.constant 0 : index
    tpu.barrier barrier_id(%barrier3A)
    %broadcast_in_dim3A = arith.constant 1.000000e+00 : f32
    %broadcast_in_dim3A_6 = vector.broadcast %broadcast_in_dim3A : f32 to vector<16xf32>
    %broadcast_in_dim3A_7 = arith.constant true
    %broadcast_in_dim3A_8 = vector.broadcast %broadcast_in_dim3A_7 : i1 to vector<16xi1>
    %mul3A_9 = arith.constant 20224 : i32
    %mul3A_10 = arith.muli %arg1, %mul3A_9 : i32
    %eq3A = arith.constant 0 : i32
    %eq3A_11 = arith.cmpi eq, %arg0, %eq3A : i32
    %jit3A = arith.constant 0 : i32
    %jit3A_12 = arith.constant 12160 : i32
    %select_n3A = arith.select %eq3A_11, %jit3A, %jit3A_12 : i32
    %add3A_13 = arith.addi %mul3A_10, %select_n3A : i32
    %eq3A_14 = arith.constant 0 : i32
    %eq3A_15 = arith.cmpi eq, %arg0, %eq3A_14 : i32
    %jit3A_16 = arith.constant 95 : i32
    %jit3A_17 = arith.constant 63 : i32
    %select_n3A_18 = arith.select %eq3A_15, %jit3A_16, %jit3A_17 : i32
    %scan3A_19 = arith.constant 0 : i32
    %scan3A_20 = arith.constant 0 : i32
    %scan3A_21 = arith.constant 95 : i32
    %scan3A_22 = arith.addi %scan3A_20, %scan3A_21 : i32
    %scan3A_23 = arith.constant 1 : i32
    scf.for %scan3A_32 = %scan3A_20 to %scan3A_22 step %scan3A_23  : i32 {
      %lt3A = arith.cmpi slt, %scan3A_32, %select_n3A_18 : i32
      %convert_element_type3A = arith.extui %lt3A : i1 to i32
      %cond3A = arith.constant 0 : i32
      %cond3A_33 = arith.cmpi ne, %convert_element_type3A, %cond3A : i32
      scf.if %cond3A_33 {
        %mul3A_34 = arith.constant 128 : i32
        %mul3A_35 = arith.muli %scan3A_32, %mul3A_34 : i32
        %add3A_36 = arith.addi %add3A_13, %mul3A_35 : i32
        "tpu.region"() ({
          %run_scoped3A = tpu.sem_alloc : memref<!tpu.dma_semaphore, #tpu.memory_space<semaphore_mem>>
          %dma_start3A_41 = tpu.memref_slice %arg3[%add3A_36] : memref<323584xi32, #tpu.memory_space<hbm>> -> memref<128xi32, #tpu.memory_space<hbm>>
          %dma_start3A_42 = tpu.memref_slice %arg3[%add3A_36] : memref<323584xi32, #tpu.memory_space<hbm>> -> memref<128xi32, #tpu.memory_space<hbm>>
          tpu.enqueue_dma source(%dma_start3A_42 : memref<128xi32, #tpu.memory_space<hbm>>) target(%arg7 : memref<128xi32, #tpu.memory_space<vmem>>) target_semaphore(%run_scoped3A : memref<!tpu.dma_semaphore, #tpu.memory_space<semaphore_mem>>)
          %dma_wait3A_43 = tpu.memref_slice %arg3[%add3A_36] : memref<323584xi32, #tpu.memory_space<hbm>> -> memref<128xi32, #tpu.memory_space<hbm>>
          %dma_wait3A_44 = tpu.memref_slice %arg3[%add3A_36] : memref<323584xi32, #tpu.memory_space<hbm>> -> memref<128xi32, #tpu.memory_space<hbm>>
          tpu.wait_dma2 semaphore(%run_scoped3A : memref<!tpu.dma_semaphore, #tpu.memory_space<semaphore_mem>>) src(%dma_wait3A_44 : memref<128xi32, #tpu.memory_space<hbm>>) dst(%arg7 : memref<128xi32, #tpu.memory_space<vmem>>)
          tpu.yield
        }) : () -> ()
        %dma_start3A = arith.constant 0 : i32
        %dma_start3A_37 = arith.constant 0 : i32
        %dma_start3A_38 = tpu.memref_slice %arg2[%dma_start3A, %dma_start3A_37] : memref<10000x128xf32, #tpu.memory_space<hbm>> -> memref<10000x128xf32, #tpu.memory_space<hbm>>
        tpu.enqueue_indirect_dma source(%dma_start3A_38 : memref<10000x128xf32, #tpu.memory_space<hbm>>) target(%arg9 : memref<128x128xf32, #tpu.memory_space<vmem>>) offsets(%arg7 : memref<128xi32, #tpu.memory_space<vmem>>) semaphore(%arg11 : memref<!tpu.dma_semaphore, #tpu.memory_space<semaphore_mem>>)
        "tpu.region"() ({
          %run_scoped3A = tpu.sem_alloc : memref<!tpu.dma_semaphore, #tpu.memory_space<semaphore_mem>>
          %dma_start3A_41 = tpu.memref_slice %arg4[%add3A_36] : memref<323584xi32, #tpu.memory_space<hbm>> -> memref<128xi32, #tpu.memory_space<hbm>>
          %dma_start3A_42 = tpu.memref_slice %arg4[%add3A_36] : memref<323584xi32, #tpu.memory_space<hbm>> -> memref<128xi32, #tpu.memory_space<hbm>>
          tpu.enqueue_dma source(%dma_start3A_42 : memref<128xi32, #tpu.memory_space<hbm>>) target(%arg8 : memref<128xi32, #tpu.memory_space<vmem>>) target_semaphore(%run_scoped3A : memref<!tpu.dma_semaphore, #tpu.memory_space<semaphore_mem>>)
          %dma_wait3A_43 = tpu.memref_slice %arg4[%add3A_36] : memref<323584xi32, #tpu.memory_space<hbm>> -> memref<128xi32, #tpu.memory_space<hbm>>
          %dma_wait3A_44 = tpu.memref_slice %arg4[%add3A_36] : memref<323584xi32, #tpu.memory_space<hbm>> -> memref<128xi32, #tpu.memory_space<hbm>>
          tpu.wait_dma2 semaphore(%run_scoped3A : memref<!tpu.dma_semaphore, #tpu.memory_space<semaphore_mem>>) src(%dma_wait3A_44 : memref<128xi32, #tpu.memory_space<hbm>>) dst(%arg8 : memref<128xi32, #tpu.memory_space<vmem>>)
          tpu.yield
        }) : () -> ()
        %dma_wait3A = arith.constant 0 : i32
        %dma_wait3A_39 = arith.constant 0 : i32
        %dma_wait3A_40 = tpu.memref_slice %arg2[%dma_wait3A, %dma_wait3A_39] : memref<10000x128xf32, #tpu.memory_space<hbm>> -> memref<10000x128xf32, #tpu.memory_space<hbm>>
        tpu.wait_indirect_dma semaphore(%arg11 : memref<!tpu.dma_semaphore, #tpu.memory_space<semaphore_mem>>) src(%dma_wait3A_40 : memref<10000x128xf32, #tpu.memory_space<hbm>>) dst(%arg9 : memref<128x128xf32, #tpu.memory_space<vmem>>)
        "tpu.region"() ({
          %run_scoped3A = tpu.sem_alloc : memref<!tpu.dma_semaphore, #tpu.memory_space<semaphore_mem>>
          %dma_start3A_41 = arith.constant 0 : i32
          %dma_start3A_42 = arith.constant 0 : i32
          %dma_start3A_43 = tpu.memref_slice %arg10[%dma_start3A_41, %dma_start3A_42] : memref<10112x128xf32, #tpu.memory_space<vmem_shared>> -> memref<10112x128xf32, #tpu.memory_space<vmem_shared>>
          tpu.enqueue_indirect_dma source(%arg9 : memref<128x128xf32, #tpu.memory_space<vmem>>) target(%dma_start3A_43 : memref<10112x128xf32, #tpu.memory_space<vmem_shared>>) offsets(%arg8 : memref<128xi32, #tpu.memory_space<vmem>>) semaphore(%run_scoped3A : memref<!tpu.dma_semaphore, #tpu.memory_space<semaphore_mem>>) {add = true}
          %dma_wait3A_44 = arith.constant 0 : i32
          %dma_wait3A_45 = arith.constant 0 : i32
          %dma_wait3A_46 = tpu.memref_slice %arg10[%dma_wait3A_44, %dma_wait3A_45] : memref<10112x128xf32, #tpu.memory_space<vmem_shared>> -> memref<10112x128xf32, #tpu.memory_space<vmem_shared>>
          tpu.wait_indirect_dma semaphore(%run_scoped3A : memref<!tpu.dma_semaphore, #tpu.memory_space<semaphore_mem>>) src(%arg9 : memref<128x128xf32, #tpu.memory_space<vmem>>) dst(%dma_wait3A_46 : memref<10112x128xf32, #tpu.memory_space<vmem_shared>>)
          tpu.yield
        }) : () -> ()
      } else {
      }
    }
    %scan3A_24 = arith.constant 95 : i32
    %barrier3A_25 = arith.constant 0 : index
    tpu.barrier barrier_id(%barrier3A_25)
    %scan3A_26 = arith.constant 0 : i32
    %scan3A_27 = arith.constant 0 : i32
    %scan3A_28 = arith.constant 5 : i32
    %scan3A_29 = arith.addi %scan3A_27, %scan3A_28 : i32
    %scan3A_30 = arith.constant 1 : i32
    scf.for %scan3A_32 = %scan3A_27 to %scan3A_29 step %scan3A_30  : i32 {
      %mul3A_33 = arith.constant 16 : i32
      %mul3A_34 = arith.muli %mul3A_33, %scan3A_32 : i32
      %add3A_35 = arith.addi %arg1, %mul3A_34 : i32
      %lt3A = arith.constant 79 : i32
      %lt3A_36 = arith.cmpi slt, %add3A_35, %lt3A : i32
      %convert_element_type3A = arith.extui %lt3A_36 : i1 to i32
      %cond3A = arith.constant 0 : i32
      %cond3A_37 = arith.cmpi ne, %convert_element_type3A, %cond3A : i32
      scf.if %cond3A_37 {
        %mul3A_38 = arith.constant 128 : i32
        %mul3A_39 = arith.muli %add3A_35, %mul3A_38 : i32
        "tpu.region"() ({
          %run_scoped3A = tpu.sem_alloc : memref<!tpu.dma_semaphore, #tpu.memory_space<semaphore_mem>>
          %dma_start3A = arith.constant 0 : i32
          %dma_start3A_40 = tpu.memref_slice %arg10[%mul3A_39, %dma_start3A] : memref<10112x128xf32, #tpu.memory_space<vmem_shared>> -> memref<128x128xf32, #tpu.memory_space<vmem_shared>>
          %dma_start3A_41 = arith.constant 0 : i32
          %dma_start3A_42 = tpu.memref_slice %arg10[%mul3A_39, %dma_start3A_41] : memref<10112x128xf32, #tpu.memory_space<vmem_shared>> -> memref<128x128xf32, #tpu.memory_space<vmem_shared>>
          tpu.enqueue_dma source(%dma_start3A_42 : memref<128x128xf32, #tpu.memory_space<vmem_shared>>) target(%arg9 : memref<128x128xf32, #tpu.memory_space<vmem>>) target_semaphore(%run_scoped3A : memref<!tpu.dma_semaphore, #tpu.memory_space<semaphore_mem>>)
          %dma_wait3A = arith.constant 0 : i32
          %dma_wait3A_43 = tpu.memref_slice %arg10[%mul3A_39, %dma_wait3A] : memref<10112x128xf32, #tpu.memory_space<vmem_shared>> -> memref<128x128xf32, #tpu.memory_space<vmem_shared>>
          %dma_wait3A_44 = arith.constant 0 : i32
          %dma_wait3A_45 = tpu.memref_slice %arg10[%mul3A_39, %dma_wait3A_44] : memref<10112x128xf32, #tpu.memory_space<vmem_shared>> -> memref<128x128xf32, #tpu.memory_space<vmem_shared>>
          tpu.wait_dma2 semaphore(%run_scoped3A : memref<!tpu.dma_semaphore, #tpu.memory_space<semaphore_mem>>) src(%dma_wait3A_45 : memref<128x128xf32, #tpu.memory_space<vmem_shared>>) dst(%arg9 : memref<128x128xf32, #tpu.memory_space<vmem>>)
          tpu.yield
        }) : () -> ()
        "tpu.region"() ({
          %run_scoped3A = tpu.sem_alloc : memref<!tpu.dma_semaphore, #tpu.memory_space<semaphore_mem>>
          %dma_start3A = arith.constant 0 : i32
          %dma_start3A_40 = tpu.memref_slice %arg6[%arg0, %mul3A_39, %dma_start3A] : memref<2x10112x128xf32, #tpu.memory_space<hbm>> -> memref<1x128x128xf32, #tpu.memory_space<hbm>>
          %dma_start3A_41 = tpu.memref_squeeze %dma_start3A_40 : memref<1x128x128xf32, #tpu.memory_space<hbm>> -> memref<128x128xf32, #tpu.memory_space<hbm>>
          %dma_start3A_42 = arith.constant 0 : i32
          %dma_start3A_43 = tpu.memref_slice %arg6[%arg0, %mul3A_39, %dma_start3A_42] : memref<2x10112x128xf32, #tpu.memory_space<hbm>> -> memref<1x128x128xf32, #tpu.memory_space<hbm>>
          %dma_start3A_44 = tpu.memref_squeeze %dma_start3A_43 : memref<1x128x128xf32, #tpu.memory_space<hbm>> -> memref<128x128xf32, #tpu.memory_space<hbm>>
          tpu.enqueue_dma source(%arg9 : memref<128x128xf32, #tpu.memory_space<vmem>>) target(%dma_start3A_44 : memref<128x128xf32, #tpu.memory_space<hbm>>) target_semaphore(%run_scoped3A : memref<!tpu.dma_semaphore, #tpu.memory_space<semaphore_mem>>)
          %dma_wait3A = arith.constant 0 : i32
          %dma_wait3A_45 = tpu.memref_slice %arg6[%arg0, %mul3A_39, %dma_wait3A] : memref<2x10112x128xf32, #tpu.memory_space<hbm>> -> memref<1x128x128xf32, #tpu.memory_space<hbm>>
          %dma_wait3A_46 = tpu.memref_squeeze %dma_wait3A_45 : memref<1x128x128xf32, #tpu.memory_space<hbm>> -> memref<128x128xf32, #tpu.memory_space<hbm>>
          %dma_wait3A_47 = arith.constant 0 : i32
          %dma_wait3A_48 = tpu.memref_slice %arg6[%arg0, %mul3A_39, %dma_wait3A_47] : memref<2x10112x128xf32, #tpu.memory_space<hbm>> -> memref<1x128x128xf32, #tpu.memory_space<hbm>>
          %dma_wait3A_49 = tpu.memref_squeeze %dma_wait3A_48 : memref<1x128x128xf32, #tpu.memory_space<hbm>> -> memref<128x128xf32, #tpu.memory_space<hbm>>
          tpu.wait_dma2 semaphore(%run_scoped3A : memref<!tpu.dma_semaphore, #tpu.memory_space<semaphore_mem>>) src(%arg9 : memref<128x128xf32, #tpu.memory_space<vmem>>) dst(%dma_wait3A_49 : memref<128x128xf32, #tpu.memory_space<hbm>>)
          tpu.yield
        }) : () -> ()
      } else {
      }
    }
    %scan3A_31 = arith.constant 5 : i32
    return
  }
}

module attributes {stable_mosaic.version = 14 : i64} {
  func.func @_tc1_body(%arg0: i32, %arg1: memref<1000x128xf32, #tpu.memory_space<vmem>>, %arg2: memref<128x128xf32, #tpu.memory_space<vmem>>, %arg3: memref<128x128xf32, #tpu.memory_space<vmem>>, %arg4: memref<1x128xf32, #tpu.memory_space<vmem>>, %arg5: memref<1000x128xf32, #tpu.memory_space<vmem>>, %arg6: memref<1000x128xf32, #tpu.memory_space<vmem>>) attributes {dimension_semantics = [#tpu.dimension_semantics<arbitrary>], iteration_bounds = array<i64: 10>, scalar_prefetch = 0 : i64, scratch_operands = 0 : i64, tpu.core_type = #tpu.core_type<tc>, window_params = [{transform_indices = @transform_0, window_bounds = array<i64: 1000, 128>}, {pipeline_mode = #tpu.pipeline_mode<synchronous>, transform_indices = @transform_1, window_bounds = array<i64: 128, 128>}, {pipeline_mode = #tpu.pipeline_mode<synchronous>, transform_indices = @transform_2, window_bounds = array<i64: 128, 128>}, {pipeline_mode = #tpu.pipeline_mode<synchronous>, transform_indices = @transform_3, window_bounds = array<i64: 1, 128>}, {transform_indices = @transform_4, window_bounds = array<i64: 1000, 128>}, {transform_indices = @transform_5, window_bounds = array<i64: 1000, 128>}]} {
    %get3A = arith.constant 0 : index
    %get3A_0 = arith.constant 0 : index
    %get3A_1 = vector.load %arg1[%get3A, %get3A_0] : memref<1000x128xf32, #tpu.memory_space<vmem>>, vector<1000x128xf32>
    %get3A_2 = arith.constant 0 : index
    %get3A_3 = arith.constant 0 : index
    %get3A_4 = vector.load %arg2[%get3A_2, %get3A_3] : memref<128x128xf32, #tpu.memory_space<vmem>>, vector<128x128xf32>
    %dot_general3A = arith.constant dense<0.000000e+00> : vector<1000x128xf32>
    %dot_general3A_5 = tpu.matmul %get3A_1, %get3A_4, %dot_general3A {dimension_numbers = #tpu.dot_dimension_numbers<[1], [0], [0], [1], [0, 0, 1, 1], [], []>, transpose_lhs_hint = false} : vector<1000x128xf32>, vector<128x128xf32>, vector<1000x128xf32> -> vector<1000x128xf32>
    %swap3A = arith.constant 0 : index
    %swap3A_6 = arith.constant 0 : index
    %swap3A_7 = vector.load %arg5[%swap3A, %swap3A_6] : memref<1000x128xf32, #tpu.memory_space<vmem>>, vector<1000x128xf32>
    tpu.vector_store %arg5[%swap3A, %swap3A_6], %dot_general3A_5 {strides = array<i32>} : memref<1000x128xf32, #tpu.memory_space<vmem>>, vector<1000x128xf32>,
    %get3A_8 = arith.constant 0 : index
    %get3A_9 = arith.constant 0 : index
    %get3A_10 = vector.load %arg3[%get3A_8, %get3A_9] : memref<128x128xf32, #tpu.memory_space<vmem>>, vector<128x128xf32>
    %dot_general3A_11 = arith.constant dense<0.000000e+00> : vector<1000x128xf32>
    %dot_general3A_12 = tpu.matmul %get3A_1, %get3A_10, %dot_general3A_11 {dimension_numbers = #tpu.dot_dimension_numbers<[1], [0], [0], [1], [0, 0, 1, 1], [], []>, transpose_lhs_hint = false} : vector<1000x128xf32>, vector<128x128xf32>, vector<1000x128xf32> -> vector<1000x128xf32>
    %get3A_13 = arith.constant 0 : index
    %get3A_14 = arith.constant 0 : index
    %get3A_15 = vector.load %arg4[%get3A_13, %get3A_14] : memref<1x128xf32, #tpu.memory_space<vmem>>, vector<1x128xf32>
    %add3A = vector.broadcast %get3A_15 : vector<1x128xf32> to vector<1000x128xf32>
    %add3A_16 = arith.addf %dot_general3A_12, %add3A : vector<1000x128xf32>
    %swap3A_17 = arith.constant 0 : index
    %swap3A_18 = arith.constant 0 : index
    %swap3A_19 = vector.load %arg6[%swap3A_17, %swap3A_18] : memref<1000x128xf32, #tpu.memory_space<vmem>>, vector<1000x128xf32>
    tpu.vector_store %arg6[%swap3A_17, %swap3A_18], %add3A_16 {strides = array<i32>} : memref<1000x128xf32, #tpu.memory_space<vmem>>, vector<1000x128xf32>,
    return
  }
  func.func @transform_0(%arg0: i32) -> (i32, i32) {
    %c0_i32 = arith.constant 0 : i32
    %c0_i32_0 = arith.constant 0 : i32
    return %arg0, %c0_i32 : i32, i32
  }
  func.func @transform_1(%arg0: i32) -> (i32, i32) {
    %c0_i32 = arith.constant 0 : i32
    %c0_i32_0 = arith.constant 0 : i32
    %c0_i32_1 = arith.constant 0 : i32
    return %c0_i32, %c0_i32_0 : i32, i32
  }
  func.func @transform_2(%arg0: i32) -> (i32, i32) {
    %c0_i32 = arith.constant 0 : i32
    %c0_i32_0 = arith.constant 0 : i32
    %c0_i32_1 = arith.constant 0 : i32
    return %c0_i32, %c0_i32_0 : i32, i32
  }
  func.func @transform_3(%arg0: i32) -> (i32, i32) {
    %c0_i32 = arith.constant 0 : i32
    %c0_i32_0 = arith.constant 0 : i32
    %c0_i32_1 = arith.constant 0 : i32
    return %c0_i32, %c0_i32_0 : i32, i32
  }
  func.func @transform_4(%arg0: i32) -> (i32, i32) {
    %c0_i32 = arith.constant 0 : i32
    %c0_i32_0 = arith.constant 0 : i32
    return %arg0, %c0_i32 : i32, i32
  }
  func.func @transform_5(%arg0: i32) -> (i32, i32) {
    %c0_i32 = arith.constant 0 : i32
    %c0_i32_0 = arith.constant 0 : i32
    return %arg0, %c0_i32 : i32, i32
  }
}

module attributes {stable_mosaic.version = 14 : i64} {
  func.func @_tc2_body(%arg0: i32, %arg1: memref<2x1000x128xf32, #tpu.memory_space<vmem>>, %arg2: memref<1000x32xf32, #tpu.memory_space<vmem>>, %arg3: memref<1000x128xf32, #tpu.memory_space<vmem>>, %arg4: memref<128x128xf32, #tpu.memory_space<vmem>>, %arg5: memref<128x128xf32, #tpu.memory_space<vmem>>, %arg6: memref<1x128xf32, #tpu.memory_space<vmem>>, %arg7: memref<1000x128xf32, #tpu.memory_space<vmem>>, %arg8: memref<1000x128xf32, #tpu.memory_space<vmem>>, %arg9: memref<1000x128xf32, #tpu.memory_space<vmem>>) attributes {dimension_semantics = [#tpu.dimension_semantics<arbitrary>], iteration_bounds = array<i64: 10>, scalar_prefetch = 0 : i64, scratch_operands = 0 : i64, tpu.core_type = #tpu.core_type<tc>, window_params = [{transform_indices = @transform_0, window_bounds = array<i64: 2, 1000, 128>}, {transform_indices = @transform_1, window_bounds = array<i64: 1000, 32>}, {transform_indices = @transform_2, window_bounds = array<i64: 1000, 128>}, {pipeline_mode = #tpu.pipeline_mode<synchronous>, transform_indices = @transform_3, window_bounds = array<i64: 128, 128>}, {pipeline_mode = #tpu.pipeline_mode<synchronous>, transform_indices = @transform_4, window_bounds = array<i64: 128, 128>}, {pipeline_mode = #tpu.pipeline_mode<synchronous>, transform_indices = @transform_5, window_bounds = array<i64: 1, 128>}, {transform_indices = @transform_6, window_bounds = array<i64: 1000, 128>}, {transform_indices = @transform_7, window_bounds = array<i64: 1000, 128>}, {transform_indices = @transform_8, window_bounds = array<i64: 1000, 128>}]} {
    %get3A = arith.constant 0 : index
    %get3A_0 = arith.constant 0 : index
    %get3A_1 = arith.constant 0 : index
    %get3A_2 = vector.load %arg1[%get3A, %get3A_0, %get3A_1] : memref<2x1000x128xf32, #tpu.memory_space<vmem>>, vector<1x1000x128xf32>
    %get3A_3 = vector.shape_cast %get3A_2 : vector<1x1000x128xf32> to vector<1000x128xf32>
    %get3A_4 = arith.constant 1 : index
    %get3A_5 = arith.constant 0 : index
    %get3A_6 = arith.constant 0 : index
    %get3A_7 = vector.load %arg1[%get3A_4, %get3A_5, %get3A_6] : memref<2x1000x128xf32, #tpu.memory_space<vmem>>, vector<1x1000x128xf32>
    %get3A_8 = vector.shape_cast %get3A_7 : vector<1x1000x128xf32> to vector<1000x128xf32>
    %add3A = arith.addf %get3A_3, %get3A_8 : vector<1000x128xf32>
    %get3A_9 = arith.constant 0 : index
    %get3A_10 = arith.constant 0 : index
    %get3A_11 = vector.load %arg2[%get3A_9, %get3A_10] : memref<1000x32xf32, #tpu.memory_space<vmem>>, vector<1000x32xf32>
    %reduce_sum3A = arith.constant dense<0.000000e+00> : vector<1000xf32>
    %reduce_sum3A_12 = vector.multi_reduction <add>, %get3A_11, %reduce_sum3A [1] : vector<1000x32xf32> to vector<1000xf32>
    %broadcast_in_dim3A = vector.shape_cast %reduce_sum3A_12 : vector<1000xf32> to vector<1000x1xf32>
    %max3A = arith.constant 1.000000e+00 : f32
    %max3A_13 = vector.broadcast %max3A : f32 to vector<1000x1xf32>
    %max3A_14 = arith.maximumf %broadcast_in_dim3A, %max3A_13 : vector<1000x1xf32>
    %div3A = arith.constant 1.000000e+00 : f32
    %div3A_15 = vector.broadcast %div3A : f32 to vector<1000x1xf32>
    %div3A_16 = arith.divf %div3A_15, %max3A_14 : vector<1000x1xf32>
    %mul3A = vector.broadcast %div3A_16 : vector<1000x1xf32> to vector<1000x128xf32>
    %mul3A_17 = arith.mulf %add3A, %mul3A : vector<1000x128xf32>
    %get3A_18 = arith.constant 0 : index
    %get3A_19 = arith.constant 0 : index
    %get3A_20 = vector.load %arg3[%get3A_18, %get3A_19] : memref<1000x128xf32, #tpu.memory_space<vmem>>, vector<1000x128xf32>
    %add3A_21 = arith.addf %mul3A_17, %get3A_20 : vector<1000x128xf32>
    %max3A_22 = arith.constant 0.000000e+00 : f32
    %max3A_23 = vector.broadcast %max3A_22 : f32 to vector<1000x128xf32>
    %max3A_24 = arith.maximumf %add3A_21, %max3A_23 : vector<1000x128xf32>
    %get3A_25 = arith.constant 0 : index
    %get3A_26 = arith.constant 0 : index
    %get3A_27 = vector.load %arg4[%get3A_25, %get3A_26] : memref<128x128xf32, #tpu.memory_space<vmem>>, vector<128x128xf32>
    %dot_general3A = arith.constant dense<0.000000e+00> : vector<1000x128xf32>
    %dot_general3A_28 = tpu.matmul %max3A_24, %get3A_27, %dot_general3A {dimension_numbers = #tpu.dot_dimension_numbers<[1], [0], [0], [1], [0, 0, 1, 1], [], []>, transpose_lhs_hint = false} : vector<1000x128xf32>, vector<128x128xf32>, vector<1000x128xf32> -> vector<1000x128xf32>
    %swap3A = arith.constant 0 : index
    %swap3A_29 = arith.constant 0 : index
    %swap3A_30 = vector.load %arg7[%swap3A, %swap3A_29] : memref<1000x128xf32, #tpu.memory_space<vmem>>, vector<1000x128xf32>
    tpu.vector_store %arg7[%swap3A, %swap3A_29], %dot_general3A_28 {strides = array<i32>} : memref<1000x128xf32, #tpu.memory_space<vmem>>, vector<1000x128xf32>,
    %get3A_31 = arith.constant 0 : index
    %get3A_32 = arith.constant 0 : index
    %get3A_33 = vector.load %arg5[%get3A_31, %get3A_32] : memref<128x128xf32, #tpu.memory_space<vmem>>, vector<128x128xf32>
    %dot_general3A_34 = arith.constant dense<0.000000e+00> : vector<1000x128xf32>
    %dot_general3A_35 = tpu.matmul %max3A_24, %get3A_33, %dot_general3A_34 {dimension_numbers = #tpu.dot_dimension_numbers<[1], [0], [0], [1], [0, 0, 1, 1], [], []>, transpose_lhs_hint = false} : vector<1000x128xf32>, vector<128x128xf32>, vector<1000x128xf32> -> vector<1000x128xf32>
    %get3A_36 = arith.constant 0 : index
    %get3A_37 = arith.constant 0 : index
    %get3A_38 = vector.load %arg6[%get3A_36, %get3A_37] : memref<1x128xf32, #tpu.memory_space<vmem>>, vector<1x128xf32>
    %add3A_39 = vector.broadcast %get3A_38 : vector<1x128xf32> to vector<1000x128xf32>
    %add3A_40 = arith.addf %dot_general3A_35, %add3A_39 : vector<1000x128xf32>
    %swap3A_41 = arith.constant 0 : index
    %swap3A_42 = arith.constant 0 : index
    %swap3A_43 = vector.load %arg8[%swap3A_41, %swap3A_42] : memref<1000x128xf32, #tpu.memory_space<vmem>>, vector<1000x128xf32>
    tpu.vector_store %arg8[%swap3A_41, %swap3A_42], %add3A_40 {strides = array<i32>} : memref<1000x128xf32, #tpu.memory_space<vmem>>, vector<1000x128xf32>,
    %broadcast_in_dim3A_44 = vector.shape_cast %div3A_16 : vector<1000x1xf32> to vector<1000x1xf32>
    %broadcast_in_dim3A_45 = vector.broadcast %broadcast_in_dim3A_44 : vector<1000x1xf32> to vector<1000x128xf32>
    %swap3A_46 = arith.constant 0 : index
    %swap3A_47 = arith.constant 0 : index
    %swap3A_48 = vector.load %arg9[%swap3A_46, %swap3A_47] : memref<1000x128xf32, #tpu.memory_space<vmem>>, vector<1000x128xf32>
    tpu.vector_store %arg9[%swap3A_46, %swap3A_47], %broadcast_in_dim3A_45 {strides = array<i32>} : memref<1000x128xf32, #tpu.memory_space<vmem>>, vector<1000x128xf32>,
    return
  }
  func.func @transform_0(%arg0: i32) -> (i32, i32, i32) {
    %c0_i32 = arith.constant 0 : i32
    %c0_i32_0 = arith.constant 0 : i32
    %c0_i32_1 = arith.constant 0 : i32
    return %c0_i32, %arg0, %c0_i32_0 : i32, i32, i32
  }
  func.func @transform_1(%arg0: i32) -> (i32, i32) {
    %c0_i32 = arith.constant 0 : i32
    %c0_i32_0 = arith.constant 0 : i32
    return %arg0, %c0_i32 : i32, i32
  }
  func.func @transform_2(%arg0: i32) -> (i32, i32) {
    %c0_i32 = arith.constant 0 : i32
    %c0_i32_0 = arith.constant 0 : i32
    return %arg0, %c0_i32 : i32, i32
  }
  func.func @transform_3(%arg0: i32) -> (i32, i32) {
    %c0_i32 = arith.constant 0 : i32
    %c0_i32_0 = arith.constant 0 : i32
    %c0_i32_1 = arith.constant 0 : i32
    return %c0_i32, %c0_i32_0 : i32, i32
  }
  func.func @transform_4(%arg0: i32) -> (i32, i32) {
    %c0_i32 = arith.constant 0 : i32
    %c0_i32_0 = arith.constant 0 : i32
    %c0_i32_1 = arith.constant 0 : i32
    return %c0_i32, %c0_i32_0 : i32, i32
  }
  func.func @transform_5(%arg0: i32) -> (i32, i32) {
    %c0_i32 = arith.constant 0 : i32
    %c0_i32_0 = arith.constant 0 : i32
    %c0_i32_1 = arith.constant 0 : i32
    return %c0_i32, %c0_i32_0 : i32, i32
  }
  func.func @transform_6(%arg0: i32) -> (i32, i32) {
    %c0_i32 = arith.constant 0 : i32
    %c0_i32_0 = arith.constant 0 : i32
    return %arg0, %c0_i32 : i32, i32
  }
  func.func @transform_7(%arg0: i32) -> (i32, i32) {
    %c0_i32 = arith.constant 0 : i32
    %c0_i32_0 = arith.constant 0 : i32
    return %arg0, %c0_i32 : i32, i32
  }
  func.func @transform_8(%arg0: i32) -> (i32, i32) {
    %c0_i32 = arith.constant 0 : i32
    %c0_i32_0 = arith.constant 0 : i32
    return %arg0, %c0_i32 : i32, i32
  }
}

module attributes {stable_mosaic.version = 14 : i64} {
  func.func @_tc3_body(%arg0: i32, %arg1: memref<2x1000x128xf32, #tpu.memory_space<vmem>>, %arg2: memref<1000x128xf32, #tpu.memory_space<vmem>>, %arg3: memref<1000x128xf32, #tpu.memory_space<vmem>>, %arg4: memref<128x40xf32, #tpu.memory_space<vmem>>, %arg5: memref<1x40xf32, #tpu.memory_space<vmem>>, %arg6: memref<1000x40xf32, #tpu.memory_space<vmem>>) attributes {dimension_semantics = [#tpu.dimension_semantics<arbitrary>], iteration_bounds = array<i64: 10>, scalar_prefetch = 0 : i64, scratch_operands = 0 : i64, tpu.core_type = #tpu.core_type<tc>, window_params = [{transform_indices = @transform_0, window_bounds = array<i64: 2, 1000, 128>}, {transform_indices = @transform_1, window_bounds = array<i64: 1000, 128>}, {transform_indices = @transform_2, window_bounds = array<i64: 1000, 128>}, {pipeline_mode = #tpu.pipeline_mode<synchronous>, transform_indices = @transform_3, window_bounds = array<i64: 128, 40>}, {pipeline_mode = #tpu.pipeline_mode<synchronous>, transform_indices = @transform_4, window_bounds = array<i64: 1, 40>}, {transform_indices = @transform_5, window_bounds = array<i64: 1000, 40>}]} {
    %get3A = arith.constant 0 : index
    %get3A_0 = arith.constant 0 : index
    %get3A_1 = arith.constant 0 : index
    %get3A_2 = vector.load %arg1[%get3A, %get3A_0, %get3A_1] : memref<2x1000x128xf32, #tpu.memory_space<vmem>>, vector<1x1000x128xf32>
    %get3A_3 = vector.shape_cast %get3A_2 : vector<1x1000x128xf32> to vector<1000x128xf32>
    %get3A_4 = arith.constant 1 : index
    %get3A_5 = arith.constant 0 : index
    %get3A_6 = arith.constant 0 : index
    %get3A_7 = vector.load %arg1[%get3A_4, %get3A_5, %get3A_6] : memref<2x1000x128xf32, #tpu.memory_space<vmem>>, vector<1x1000x128xf32>
    %get3A_8 = vector.shape_cast %get3A_7 : vector<1x1000x128xf32> to vector<1000x128xf32>
    %add3A = arith.addf %get3A_3, %get3A_8 : vector<1000x128xf32>
    %get3A_9 = arith.constant 0 : index
    %get3A_10 = arith.constant 0 : index
    %get3A_11 = vector.load %arg2[%get3A_9, %get3A_10] : memref<1000x128xf32, #tpu.memory_space<vmem>>, vector<1000x1xf32>
    %mul3A = vector.broadcast %get3A_11 : vector<1000x1xf32> to vector<1000x128xf32>
    %mul3A_12 = arith.mulf %add3A, %mul3A : vector<1000x128xf32>
    %get3A_13 = arith.constant 0 : index
    %get3A_14 = arith.constant 0 : index
    %get3A_15 = vector.load %arg3[%get3A_13, %get3A_14] : memref<1000x128xf32, #tpu.memory_space<vmem>>, vector<1000x128xf32>
    %add3A_16 = arith.addf %mul3A_12, %get3A_15 : vector<1000x128xf32>
    %get3A_17 = arith.constant 0 : index
    %get3A_18 = arith.constant 0 : index
    %get3A_19 = vector.load %arg4[%get3A_17, %get3A_18] : memref<128x40xf32, #tpu.memory_space<vmem>>, vector<128x40xf32>
    %dot_general3A = arith.constant dense<0.000000e+00> : vector<1000x40xf32>
    %dot_general3A_20 = tpu.matmul %add3A_16, %get3A_19, %dot_general3A {dimension_numbers = #tpu.dot_dimension_numbers<[1], [0], [0], [1], [0, 0, 1, 1], [], []>, transpose_lhs_hint = false} : vector<1000x128xf32>, vector<128x40xf32>, vector<1000x40xf32> -> vector<1000x40xf32>
    %get3A_21 = arith.constant 0 : index
    %get3A_22 = arith.constant 0 : index
    %get3A_23 = vector.load %arg5[%get3A_21, %get3A_22] : memref<1x40xf32, #tpu.memory_space<vmem>>, vector<1x40xf32>
    %add3A_24 = vector.broadcast %get3A_23 : vector<1x40xf32> to vector<1000x40xf32>
    %add3A_25 = arith.addf %dot_general3A_20, %add3A_24 : vector<1000x40xf32>
    %swap3A = arith.constant 0 : index
    %swap3A_26 = arith.constant 0 : index
    %swap3A_27 = vector.load %arg6[%swap3A, %swap3A_26] : memref<1000x40xf32, #tpu.memory_space<vmem>>, vector<1000x40xf32>
    tpu.vector_store %arg6[%swap3A, %swap3A_26], %add3A_25 {strides = array<i32>} : memref<1000x40xf32, #tpu.memory_space<vmem>>, vector<1000x40xf32>,
    return
  }
  func.func @transform_0(%arg0: i32) -> (i32, i32, i32) {
    %c0_i32 = arith.constant 0 : i32
    %c0_i32_0 = arith.constant 0 : i32
    %c0_i32_1 = arith.constant 0 : i32
    return %c0_i32, %arg0, %c0_i32_0 : i32, i32, i32
  }
  func.func @transform_1(%arg0: i32) -> (i32, i32) {
    %c0_i32 = arith.constant 0 : i32
    %c0_i32_0 = arith.constant 0 : i32
    return %arg0, %c0_i32 : i32, i32
  }
  func.func @transform_2(%arg0: i32) -> (i32, i32) {
    %c0_i32 = arith.constant 0 : i32
    %c0_i32_0 = arith.constant 0 : i32
    return %arg0, %c0_i32 : i32, i32
  }
  func.func @transform_3(%arg0: i32) -> (i32, i32) {
    %c0_i32 = arith.constant 0 : i32
    %c0_i32_0 = arith.constant 0 : i32
    %c0_i32_1 = arith.constant 0 : i32
    return %c0_i32, %c0_i32_0 : i32, i32
  }
  func.func @transform_4(%arg0: i32) -> (i32, i32) {
    %c0_i32 = arith.constant 0 : i32
    %c0_i32_0 = arith.constant 0 : i32
    %c0_i32_1 = arith.constant 0 : i32
    return %c0_i32, %c0_i32_0 : i32, i32
  }
  func.func @transform_5(%arg0: i32) -> (i32, i32) {
    %c0_i32 = arith.constant 0 : i32
    %c0_i32_0 = arith.constant 0 : i32
    return %arg0, %c0_i32 : i32, i32
  }
}

</mosaic_0001>

<sc_bundles>
// kernel: kernel.10.cloned.1.call-start
scs
__scs_entry_jumppad:
0x0: {  	(pc) =	sbr.rel $0x88, $3  }
0x1: {  	(tag) =	ssettag $0x0;
	lr =	simm.s32 $0x1  }
0x2: {  	[smem:$0x3F97] =	sst lr;
	_ =	strace $0xD0000000  }
0x3: {  	_ = 	snop  }
0x4: {  	_ = 	snop  }
0x5: {  	_ = 	snop  }
0x6: {  	_ = 	snop  }
0x7: {  	_ = 	snop  }
__scs_overlays_trampoline_lowered:
0x8: {  	[smem:$0x3FA6] =	sst s0  }
0x9: {  	[smem:$0x3FA7] =	sst s1  }
0xa: {  	[smem:$0x3FA8] =	sst s2  }
0xb: {  	[smem:$0x3FA9] =	sst s3  }
0xc: {  	[smem:$0x3FAA] =	sst s4  }
0xd: {  	[smem:$0x3FAB] =	sst s5  }
0xe: {  	[smem:$0x3FAC] =	sst s6  }
0xf: {  	[smem:$0x3FAD] =	sst s7  }
0x10: {  	[smem:$0x3FAE] =	sst s8  }
0x11: {  	[smem:$0x3FAF] =	sst s9;
	s0 =	simm.s32 @!p0 $0x0  }
0x12: {  	s1 =	sld [smem:$0x3F95];
	s0 =	simm.s32 @p0 $0x1  }
0x13: {  	[smem:$0x3FB0] =	sst s0;
	s0 =	simm.s32 @!p1 $0x0  }
0x14: {  	s2 =	sld [smem:$0x3F94];
	s0 =	simm.s32 @p1 $0x1  }
0x15: {  	[smem:$0x3FB1] =	sst s0;
	s0 =	simm.s32 @!p2 $0x0  }
0x16: {  	s3 =	sld [smem:$0x3FDB];
	s0 =	simm.s32 @p2 $0x1  }
0x17: {  	s4 =	simm.s32 $0x1BF5;
	[smem:$0x3FB3] =	sst s0  }
0x18: {  	s0 =	sld [smem:$0x3F96];
	_ =	swait.ge [sflag:s4], $0x0  }
0x19: {  	s7 =	sld [smem:$0x3F97]  }
0x1a: {  	s8 =	sadd.s32 $0xFFFFE003, lr  }
0x1b: {  	s9 =	sadd.s32 $0xFFFFFEF7, lr;
	s5 =	simm.s32 $0xFFFFFFFF;
	p2 =	slt.u32 s8, $0xFFFFF086  }
0x1c: {  	p1 =	slt.u32 s9, $0xF7A;
	s5 =	simm.s32 @!p2 $0x0  }
0x1d: {  	s5 =	simm.s32 @p1 $0x1;
	p0 =	seq.s32 s7, s2  }
0x1e: {  	s7 =	smul.u32 @!p0 $0xF7A, s2;
	p2 =	seq.s32 @!p0 s5, $0x0  }
0x1f: {  	s9 =	smul.u32 $0xF7A, s1;
	s8 =	simm.s32 @!p0 $0x1BF5;
	p2 =	por !p2, p0  }
0x20: {  	[sflag:s8] =	ssyncset.s32 @!p0 $0xFFFFF086;
	s6 =	sadd.s32 @!p0 s3, s7;
	s7 =	simm.s32 @!p0 $0x108  }
0x21: {  	s3 =	sadd.s32 s3, s9;
	s6 =	sadd.s32 @!p0 $0x88, s6;
	s7 =	simm.s32 @p2 $0x1082  }
0x22: {  	[simem:s7], [sflag:s8] =	dma.local @!p0 [hbm:s6], $0xF7A  }
0x23: {  	s9 =	sor.u32 $0xD0000000, s2;
	s6 =	simm.s32 $0x108;
	_ =	swait.ge @!p0 [sflag:s8], $0x0  }
0x24: {  	s3 =	sadd.s32 $0x88, s3;
	s6 =	simm.s32 @!p1 $0x1082;
	[sflag:s4] =	ssyncset.s32 $0xFFFFF086  }
0x25: {  	[simem:s6], [sflag:s4] =	dma.local [hbm:s3], $0xF7A  }
0x26: {  	[smem:$0x3F97] =	sst s1;
	(tag) =	ssettag s2;
	_ =	strace s9  }
0x27: {  	s1 =	sld [smem:$0x3FA7]  }
0x28: {  	s2 =	sld [smem:$0x3FA8]  }
0x29: {  	s4 =	sld [smem:$0x3FAA]  }
0x2a: {  	p0 =	seq.s32 s5, $0x0;
	s5 =	sld [smem:$0x3FAB]  }
0x2b: {  	s6 =	sld [smem:$0x3FAC]  }
0x2c: {  	s7 =	sld [smem:$0x3FAD]  }
0x2d: {  	s3 =	simm.s32 $0x108;
	s8 =	sld [smem:$0x3FAE]  }
0x2e: {  	s3 =	simm.s32 @!p0 $0x1082;
	s9 =	sld [smem:$0x3FAF]  }
0x2f: {  	lr =	sadd.s32 s0, s3;
	s0 =	sld [smem:$0x3FA6]  }
0x30: {  	s3 =	sld [smem:$0x3FA9]  }
0x31: {  	[smem:$0x3FB2] =	sst s10  }
0x32: {  	s10 =	sld [smem:$0x3FB0];
	_ =	sdelay $0x3  }
0x33: {  	p0 =	seq.s32 s10, $0x1;
	s10 =	sld [smem:$0x3FB2];
	_ =	sdelay $0x3  }
0x34: {  	[smem:$0x3FB2] =	sst s10  }
0x35: {  	s10 =	sld [smem:$0x3FB1];
	_ =	sdelay $0x3  }
0x36: {  	p1 =	seq.s32 s10, $0x1;
	s10 =	sld [smem:$0x3FB2];
	_ =	sdelay $0x3  }
0x37: {  	[smem:$0x3FB2] =	sst s10  }
0x38: {  	s10 =	sld [smem:$0x3FB3]  }
0x39: {  	_ = 	snop;
	(pc) =	sbr.ind lr, $3  }
0x3a: {  	_ = 	snop  }
0x3b: {  	_ = 	snop  }
0x3c: {  	p2 =	seq.s32 s10, $0x1;
	s10 =	sld [smem:$0x3FB2]  }
0x3d: {  	_ =	shalt  }
0x3e: {  	_ =	shalt  }
0x3f: {  	_ =	shalt  }
0x40: {  	_ =	shalt  }
0x41: {  	_ =	shalt  }
0x42: {  	_ =	shalt  }
0x43: {  	_ =	shalt  }
0x44: {  	_ =	shalt  }
0x45: {  	_ =	shalt  }
0x46: {  	_ =	shalt  }
0x47: {  	_ =	shalt  }
0x48: {  	_ =	shalt  }
0x49: {  	_ =	shalt  }
0x4a: {  	_ =	shalt  }
0x4b: {  	_ =	shalt  }
0x4c: {  	_ =	shalt  }
0x4d: {  	_ =	shalt  }
0x4e: {  	_ =	shalt  }
0x4f: {  	_ =	shalt  }
0x50: {  	_ =	shalt  }
0x51: {  	_ =	shalt  }
0x52: {  	_ =	shalt  }
0x53: {  	_ =	shalt  }
0x54: {  	_ =	shalt  }
0x55: {  	_ =	shalt  }
0x56: {  	_ =	shalt  }
0x57: {  	_ =	shalt  }
0x58: {  	_ =	shalt  }
0x59: {  	_ =	shalt  }
0x5a: {  	_ =	shalt  }
0x5b: {  	_ =	shalt  }
0x5c: {  	_ =	shalt  }
0x5d: {  	_ =	shalt  }
0x5e: {  	_ =	shalt  }
0x5f: {  	_ =	shalt  }
0x60: {  	_ =	shalt  }
0x61: {  	_ =	shalt  }
0x62: {  	_ =	shalt  }
0x63: {  	_ =	shalt  }
0x64: {  	_ =	shalt  }
0x65: {  	_ =	shalt  }
0x66: {  	_ =	shalt  }
0x67: {  	_ =	shalt  }
0x68: {  	_ =	shalt  }
0x69: {  	_ =	shalt  }
0x6a: {  	_ =	shalt  }
0x6b: {  	_ =	shalt  }
0x6c: {  	_ =	shalt  }
0x6d: {  	_ =	shalt  }
0x6e: {  	_ =	shalt  }
0x6f: {  	_ =	shalt  }
0x70: {  	_ =	shalt  }
0x71: {  	_ =	shalt  }
0x72: {  	_ =	shalt  }
0x73: {  	_ =	shalt  }
0x74: {  	_ =	shalt  }
0x75: {  	_ =	shalt  }
0x76: {  	_ =	shalt  }
0x77: {  	_ =	shalt  }
0x78: {  	_ =	shalt  }
0x79: {  	_ =	shalt  }
0x7a: {  	_ =	shalt  }
0x7b: {  	_ =	shalt  }
0x7c: {  	_ =	shalt  }
0x7d: {  	_ =	shalt  }
0x7e: {  	_ =	shalt  }
0x7f: {  	_ =	shalt  }
0x80: {  	_ =	shalt  }
0x81: {  	_ =	shalt  }
0x82: {  	_ =	shalt  }
0x83: {  	_ =	shalt  }
0x84: {  	_ =	shalt  }
0x85: {  	_ =	shalt  }
0x86: {  	_ =	shalt  }
0x87: {  	_ =	shalt  }
.Lfunc_end0:
.L_simem_size_0:
called_computation.1_lowered:
.L_overlay_start_0:
0x88: {  	s2 =	sld [smem:$0x3FD9]  }
0x89: {  	s3 =	sld [smem:$0x3FFE];
	_ =	sdelay $0x1  }
0x8a: {  	s1 =	srdreg.scid  }
0x8b: {  	s0 =	sand.u32 $0x1, s1  }
0x8c: {  	s17 =	sshll.u32 s0, $0xA;
	s2 =	sadd.s32 s3, s2  }
0x8d: {  	s2 =	sadd.s32 s2, s17  }
0x8e: {  	[smem:$0x3FBE] =	sst s2  }
0x8f: {  	_ = 	snop  }
0x90: {  	s2 =	sld [smem:$0x3FD0];
	(tm) =	ssettm $0x1  }
0x91: {  	s18 =	sld [smem:$0x3FFB];
	_ =	sdelay $0x3  }
0x92: {  	_ =	strace s18  }
0x93: {  	s3 =	sld [smem:$0x3FFC];
	_ =	sdelay $0x3  }
0x94: {  	_ =	strace s3  }
0x95: {  	s3 =	sld [smem:$0x3FFD];
	_ =	sdelay $0x3  }
0x96: {  	_ =	strace s3  }
0x97: {  	_ =	strace $0x8FFFFFFF  }
0x98: {  	s19 =	sld [smem:$0x3FDB];
	_ =	sdelay $0x1  }
0x99: {  	s4 =	simm.s32 $_scs_section_size  }
0x9a: {  	s5 =	simm.s32 $_size__tile_overlayer_lowered;
	s6 =	simm.s32 $_tile_overlayer_lowered  }
0x9b: {  	s22 =	simm.s32 $0x1BFF;
	s21 =	sshll.u32 s6, $0x1;
	s3 =	sadd.s32 s4, s19  }
0x9c: {  	s7 =	simm.s32 $0x0;
	s20 =	sshll.u32 s5, $0x1;
	s5 =	sadd.s32 s21, s3  }
0x9d: {  	[timem:s7], [sflag:s22] =	dma.local [hbm:s5], s20  }
0x9e: {  	_ =	swait.ge [sflag:s22], s20  }
0x9f: {  	s4 =	ssub.s32 $0x0, s20;
	[sflag:s22] =	ssyncset.done $0x0  }
0xa0: {  	[sflag:s22] =	ssyncadd.s32 s4;
	_ =	sdelay $0x1  }
0xa1: {  	s23 =	simm.s32 $0x1B8B  }
0xa2: {  	_ =	swait.ge [sflag:s23], $0x1  }
0xa3: {  	[sflag:s23] =	ssyncset.done $0x0  }
0xa4: {  	s25 =	simm.s32 $0x1B8E;
	s24 =	sld [smem:$0x3FFE];
	[sflag:s23] =	ssyncadd.s32 $0xFFFFFFFF  }
0xa5: {  	s26 =	simm.s32 $execute0_lowered;
	[smem:$0x3FD2] =	sst s25  }
0xa6: {  	s5 =	sshll.u32 s26, $0x1;
	_ =	strace $0x80000049;
	[dreg:$0x1] =	wrdreg $0xFFFFFFFF  }
0xa7: {  	s28 =	simm.s32 $_size_execute0_lowered;
	s3 =	sadd.s32 s3, s5;
	[dreg:$0x0] =	wrdreg $0x0  }
0xa8: {  	s5 =	sshll.u32 s28, $0x1;
	[dreg:$0x2] =	wrdreg s3  }
0xa9: {  	[dreg:$0x3] =	wrdreg s5  }
0xaa: {  	[dreg:$0x4] =	wrdreg $0xC0  }
0xab: {  	_ =	task [dreg:s7], $0x5FFFF  }
0xac: {  	[dreg:$0x1] =	wrdreg $0xFFFFFFFF  }
0xad: {  	[dreg:$0x0] =	wrdreg $0x60  }
0xae: {  	[dreg:$0x2] =	wrdreg s24  }
0xaf: {  	[dreg:$0x3] =	wrdreg s2  }
0xb0: {  	[dreg:$0x4] =	wrdreg $0x41000  }
0xb1: {  	[dreg:$0x5] =	wrdreg $0x9  }
0xb2: {  	_ =	task.clear_ibuf [dreg:s7], $0x6FFFF;
	_ =	strace $0x90000049  }
0xb3: {  	s29 =	simm.s32 $0x9;
	_ =	strace $0x8000004B  }
0xb4: {  	_ =	swait.ge [sflag:s29], $0x1  }
0xb5: {  	[sflag:s29] =	ssyncadd.s32 $0xFFFFFFFF  }
0xb6: {  	_ =	strace $0x9000004B  }
0xb7: {  	_ =	sfence  }
0xb8: {  	s30 =	sld [smem:$0x0];
	_ =	sdelay $0x2  }
0xb9: {  	s31 =	sshll.u32 s1, $0xD;
	s1 =	sshrl.u32 s1, $0x2  }
0xba: {  	s3 =	sand.u32 $0x4000, s31;
	s1 =	sadd.s32 s1, s30  }
0xbb: {  	s0 =	sor.u32 s3, s0;
	s1 =	sshll.u32 s1, $0x11  }
0xbc: {  	s0 =	sor.u32 s1, s0  }
0xbd: {  	s0 =	sadd.s32 $0x8F2B, s0  }
0xbe: {  	[sflag:s0] =	ssyncadd.remote.s32 $0x1  }
0xbf: {  	_ =	sfence.sel $0xFFFF  }
0xc0: {  	[dreg:$0x0] =	wrdreg $0xFFFFFFFF;
	(pc) =	sbr.abs _section_cstart, $3  }
0xc1: {  	[dreg:$0x1] =	wrdreg $0xFFFFFFFF  }
0xc2: {  	_ =	task.clear_ibuf [dreg:s7], $0x2FFFF;
	_ =	strace $0x9FFFFFFF  }
0xc3: {  	(tm) =	ssettm $0x7FFFFFFF  }
tec
execute0_lowered:
.L_overlay_start_1:
0x0: {  	(tag) =	ssettag $0x1  }
0x1: {  	s1 =	srdreg.scid;
	s6 =	rddreg [dreg:$0x0]  }
0x2: {  	s0 =	stileid.u32;
	s19 =	rddreg [dreg:$0x1]  }
0x3: {  	s2 =	rddreg [dreg:$0x2];
	s3 =	simm.s32 $0x0;
	s7 =	sand.u32 $0x1, s1  }
0x4: {  	s4 =	smul.u32 $0x4F00, s0;
	[smem:$0x7FF] =	sst s3;
	s17 =	sadd.s32 $0x5AC00, s6  }
0x5: {  	s12 =	sshll.u32 s0, $0xE;
	s1 =	ssub.s32 $0x0, s7;
	_ =	strace $0x8000004A  }
0x6: {  	s8 =	ssub.s32 $0x2, s7;
	p0 =	seq.s32 s7, $0x0;
	s15 =	smul.u32 $0x13C000, s7  }
0x7: {  	s13 =	sor.u32 $0x40000, s12;
	s16 =	sor.u32 $0x80000, s12;
	s21 =	sor.u32 $0xC0000, s12  }
0x8: {  	s22 =	sor.u32 $0x100000, s12;
	s5 =	sand.u32 $0x2F80, s1;
	s9 =	sshrl.u32 s8, $0x1  }
0x9: {  	s10 =	sadd.s32 s16, s2;
	s11 =	sadd.s32 s21, s2;
	s4 =	sadd.s32 s4, s5  }
0xa: {  	s5 =	sadd.s32 $0x5A400, s6;
	s8 =	ssub.s32 s8, s9;
	s9 =	sadd.s32 s13, s2  }
0xb: {  	s14 =	sadd.s32 s15, s12;
	s13 =	sadd.s32 s15, s13;
	s16 =	sadd.s32 s15, s16  }
0xc: {  	s21 =	sadd.s32 s15, s21;
	s20 =	sshrl.u32 s4, $0x3;
	s4 =	sadd.s32 $0xC000, s6  }
0xd: {  	s7 =	smax.u32 s8, $0x1;
	s8 =	sadd.s32 s12, s2;
	s12 =	sadd.s32 s22, s2  }
0xe: {  	s14 =	sshrl.u32 s14, $0x3;
	s23 =	sshrl.u32 s13, $0x3;
	s16 =	sshrl.u32 s16, $0x3  }
0xf: {  	s22 =	sadd.s32 s15, s22;
	s30 =	sshrl.u32 s21, $0x3;
	s21 =	simm.s32 $0x2  }
0x10: {  	s18 =	sadd.s32 s20, s6;
	s6 =	simm.s32 $0x5F;
	s13 =	sadd.s32 s17, s14  }
0x11: {  	s14 =	sadd.s32 s17, s23;
	s15 =	sadd.s32 s17, s16;
	s31 =	sshrl.u32 s22, $0x3  }
0x12: {  	s16 =	sadd.s32 s17, s30;
	s19 =	sadd.s32 s20, s19;
	s20 =	simm.s32 $0x100  }
0x13: {  	s22 =	simm.s32 $0x3;
	s23 =	simm.s32 $0x0;
	s6 =	simm.s32 @!p0 $0x3F  }
0x14: {  	s17 =	sadd.s32 s17, s31;
	s18 =	sadd.s32 $0x2200, s18;
	p0 =	seq.s32 s0, $0xF  }
.LBB2_1:
0x15: {  	[tilespmem:s20], [sflag:$0x2] =	stream.linear.gather [hbm4b:s5+s3], $0x4000, $0x38;
	[tilespmem:$0x17D00] =	vst v63  }
0x16: {  	_ =	swait.ge [sflag:s21], $0x4000  }
0x17: {  	[sflag:s21] =	ssyncset.done $0x0  }
0x18: {  	[sflag:s21] =	ssyncadd.s32 $0xFFFFC000  }
0x19: {  	[spmem:s8] =	stream.linear.scatter [tilespmem:s20], [sflag:$0x2], $0x4000, $0x38;
	[tilespmem:$0x17D00] =	vst v63  }
0x1a: {  	_ =	swait.ge [sflag:s21], $0x4000  }
0x1b: {  	[sflag:s21] =	ssyncset.done $0x0  }
0x1c: {  	[sflag:s21] =	ssyncadd.s32 $0xFFFFC000  }
0x1d: {  	[spmem:s9] =	stream.linear.scatter [tilespmem:s20], [sflag:$0x2], $0x4000, $0x38;
	[tilespmem:$0x17D00] =	vst v63  }
0x1e: {  	_ =	swait.ge [sflag:s21], $0x4000  }
0x1f: {  	[sflag:s21] =	ssyncset.done $0x0  }
0x20: {  	[sflag:s21] =	ssyncadd.s32 $0xFFFFC000  }
0x21: {  	[spmem:s10] =	stream.linear.scatter [tilespmem:s20], [sflag:$0x2], $0x4000, $0x38;
	[tilespmem:$0x17D00] =	vst v63  }
0x22: {  	_ =	swait.ge [sflag:s21], $0x4000  }
0x23: {  	[sflag:s21] =	ssyncset.done $0x0  }
0x24: {  	[sflag:s21] =	ssyncadd.s32 $0xFFFFC000  }
0x25: {  	[spmem:s11] =	stream.linear.scatter [tilespmem:s20], [sflag:$0x2], $0x4000, $0x38;
	[tilespmem:$0x17D00] =	vst v63  }
0x26: {  	_ =	swait.ge [sflag:s21], $0x4000  }
0x27: {  	[sflag:s21] =	ssyncset.done $0x0  }
0x28: {  	s24 =	simm.s32 @!p0 $0x100;
	[sflag:s21] =	ssyncadd.s32 $0xFFFFC000  }
0x29: {  	[spmem:s12] =	stream.linear.scatter @!p0 [tilespmem:s24], [sflag:$0x2], $0x4000, $0x38;
	[tilespmem:$0x17D00] =	vst v63  }
0x2a: {  	s24 =	simm.s32 @!p0 $0x2  }
0x2b: {  	_ =	swait.ge @!p0 [sflag:s24], $0x4000  }
0x2c: {  	[sflag:s24] =	ssyncset.done @!p0 $0x0  }
0x2d: {  	p1 =	sle.u32 s6, $0x0;
	[sflag:s24] =	ssyncadd.s32 @!p0 $0xFFFFC000  }
0x2e: {  	s25 =	simm.s32 @!p1 $0x3;
	s24 =	simm.s32 @!p1 $0x0;
	[bflag:$0x0] =	sbarrier.arrive $0xFFFF  }
0x2f: {  	[tilespmem:s24], [sflag:$0x3] =	stream.linear.gather @!p1 [hbm4b:s19+s24], $0x80, $0x38;
	[tilespmem:$0x17D00] =	vst v63  }
0x30: {  	_ =	swait.ge @!p1 [sflag:s25], $0x80  }
0x31: {  	[sflag:s25] =	ssyncset.done @!p1 $0x0;
	p1 =	por p1, p1  }
0x32: {  	[sflag:s25] =	ssyncadd.s32 @!p1 $0xFFFFFF80;
	s26 =	simm.s32 @!p1 $0x80;
	s29 =	simm.s32 @!p1 $0x100  }
0x33: {  	[tilespmem:s29], [sflag:$0x1] =	stream.indirect.gather @!p1 [hbm4b:s4+s26], $0x80, s24, s26, $0xb8;
	[tilespmem:$0x17D00] =	vst v63  }
0x34: {  	_ = 	snop  }
0x35: {  	[tilespmem:s26], [sflag:$0x3] =	stream.linear.gather @!p1 [hbm4b:s18+s24], $0x80, $0x38;
	[tilespmem:$0x17D00] =	vst v63  }
0x36: {  	_ =	swait.ge @!p1 [sflag:s25], $0x80  }
0x37: {  	[sflag:s25] =	ssyncset.done @!p1 $0x0  }
0x38: {  	s24 =	simm.s32 @!p1 $0x1;
	[sflag:s25] =	ssyncadd.s32 @!p1 $0xFFFFFF80  }
0x39: {  	_ =	swait.ge @!p1 [sflag:s24], $0x4000  }
0x3a: {  	[sflag:s24] =	ssyncset.done @!p1 $0x0  }
0x3b: {  	s28 =	simm.s32 @!p1 $0x2;
	[sflag:s24] =	ssyncadd.s32 @!p1 $0xFFFFC000  }
0x3c: {  	[spmem:s2] =	stream.indirect.scatter.add.f32 @!p1 [tilespmem:s29], [sflag:$0x2], $0x80, s26, s26, $0xb8;
	[tilespmem:$0x17D00] =	vst v63  }
0x3d: {  	p3 =	sle.u32 s6, $0x1;
	s25 =	sadd.s32 $0x10, s19;
	_ =	swait.ge @!p1 [sflag:s28], $0x4000  }
0x3e: {  	s24 =	sadd.s32 $0x10, s18;
	s26 =	simm.s32 $0x2;
	[sflag:s28] =	ssyncset.done @!p1 $0x0  }
.LBB2_2:
0x3f: {  	s29 =	simm.s32 @!p3 $0x0;
	s30 =	simm.s32 @!p3 $0x3;
	[sflag:s28] =	ssyncadd.s32 @!p1 $0xFFFFC000  }
0x40: {  	[tilespmem:s29], [sflag:$0x3] =	stream.linear.gather @!p3 [hbm4b:s25+s29], $0x80, $0x38;
	[tilespmem:$0x17D00] =	vst v63  }
0x41: {  	s31 =	smov.u32 s26;
	s26 =	sadd.s32 $0x1, s26;
	_ =	swait.ge @!p3 [sflag:s30], $0x80  }
0x42: {  	p1 =	por p3, p3;
	p2 =	sne.s32 s26, $0x5F;
	[sflag:s30] =	ssyncset.done @!p3 $0x0  }
0x43: {  	s1 =	simm.s32 @!p1 $0x80;
	s0 =	simm.s32 @!p1 $0x100;
	[sflag:s30] =	ssyncadd.s32 @!p1 $0xFFFFFF80  }
0x44: {  	[tilespmem:s0], [sflag:$0x1] =	stream.indirect.gather @!p1 [hbm4b:s4+s1], $0x80, s29, s1, $0xb8;
	[tilespmem:$0x17D00] =	vst v63  }
0x45: {  	_ = 	snop  }
0x46: {  	[tilespmem:s1], [sflag:$0x3] =	stream.linear.gather @!p1 [hbm4b:s24+s29], $0x80, $0x38;
	[tilespmem:$0x17D00] =	vst v63  }
0x47: {  	_ =	swait.ge @!p1 [sflag:s30], $0x80  }
0x48: {  	[sflag:s30] =	ssyncset.done @!p1 $0x0  }
0x49: {  	s28 =	simm.s32 @!p1 $0x1;
	[sflag:s30] =	ssyncadd.s32 @!p1 $0xFFFFFF80  }
0x4a: {  	_ =	swait.ge @!p1 [sflag:s28], $0x4000  }
.Ltmp0:
0x4b: {  	[sflag:s28] =	ssyncset.done @!p1 $0x0;
	(pc) =	sbr.rel @p2 .LBB2_2-.Ltmp0, $4  }
0x4c: {  	[sflag:s28] =	ssyncadd.s32 @!p1 $0xFFFFC000;
	s28 =	simm.s32 @!p1 $0x2  }
0x4d: {  	[spmem:s2] =	stream.indirect.scatter.add.f32 @!p1 [tilespmem:s0], [sflag:$0x2], $0x80, s1, s1, $0xb8;
	[tilespmem:$0x17D00] =	vst v63  }
0x4e: {  	s25 =	sadd.s32 $0x10, s25;
	_ =	swait.ge @!p1 [sflag:s28], $0x4000  }
0x4f: {  	p3 =	sge.u32 s31, s6;
	s24 =	sadd.s32 $0x10, s24;
	[sflag:s28] =	ssyncset.done @!p1 $0x0  }
0x50: {  	s0 =	simm.s32 @!p3 $0x0;
	s1 =	simm.s32 @!p3 $0x3;
	[sflag:s28] =	ssyncadd.s32 @!p1 $0xFFFFC000  }
0x51: {  	[tilespmem:s0], [sflag:$0x3] =	stream.linear.gather @!p3 [hbm4b:s25+s0], $0x80, $0x38;
	[tilespmem:$0x17D00] =	vst v63  }
0x52: {  	_ =	swait.ge @!p3 [sflag:s1], $0x80  }
0x53: {  	p1 =	por p3, p3;
	[sflag:s1] =	ssyncset.done @!p3 $0x0  }
0x54: {  	s25 =	simm.s32 @!p1 $0x80;
	s26 =	simm.s32 @!p1 $0x100;
	[sflag:s1] =	ssyncadd.s32 @!p1 $0xFFFFFF80  }
0x55: {  	[tilespmem:s26], [sflag:$0x1] =	stream.indirect.gather @!p1 [hbm4b:s4+s25], $0x80, s0, s25, $0xb8;
	[tilespmem:$0x17D00] =	vst v63  }
0x56: {  	_ = 	snop  }
0x57: {  	[tilespmem:s25], [sflag:$0x3] =	stream.linear.gather @!p1 [hbm4b:s24+s0], $0x80, $0x38;
	[tilespmem:$0x17D00] =	vst v63  }
0x58: {  	_ =	swait.ge @!p1 [sflag:s1], $0x80  }
0x59: {  	[sflag:s1] =	ssyncset.done @!p1 $0x0  }
0x5a: {  	s0 =	simm.s32 @!p1 $0x1;
	[sflag:s1] =	ssyncadd.s32 @!p1 $0xFFFFFF80  }
0x5b: {  	_ =	swait.ge @!p1 [sflag:s0], $0x4000  }
0x5c: {  	[sflag:s0] =	ssyncset.done @!p1 $0x0  }
0x5d: {  	[sflag:s0] =	ssyncadd.s32 @!p1 $0xFFFFC000;
	s0 =	simm.s32 @!p1 $0x2  }
0x5e: {  	[spmem:s2] =	stream.indirect.scatter.add.f32 @!p1 [tilespmem:s26], [sflag:$0x2], $0x80, s25, s25, $0xb8;
	[tilespmem:$0x17D00] =	vst v63  }
0x5f: {  	_ =	swait.ge @!p1 [sflag:s0], $0x4000  }
0x60: {  	[sflag:s0] =	ssyncset.done @!p1 $0x0  }
0x61: {  	[sflag:s0] =	ssyncadd.s32 @!p1 $0xFFFFC000  }
0x62: {  	[bflag:$0x0] =	sbarrier.arrive $0xFFFF  }
0x63: {  	[tilespmem:s20], [sflag:$0x3] =	stream.linear.gather [spmem:s8], $0x4000, $0x38;
	[tilespmem:$0x17D00] =	vst v63  }
0x64: {  	_ =	swait.ge [sflag:s22], $0x4000  }
0x65: {  	[sflag:s22] =	ssyncset.done $0x0  }
0x66: {  	[sflag:s22] =	ssyncadd.s32 $0xFFFFC000  }
0x67: {  	[hbm4b:s13+s3] =	stream.linear.scatter [tilespmem:s20], [sflag:$0x2], $0x4000, $0x38;
	[tilespmem:$0x17D00] =	vst v63  }
0x68: {  	_ =	swait.ge [sflag:s21], $0x4000  }
0x69: {  	[sflag:s21] =	ssyncset.done $0x0  }
0x6a: {  	[sflag:s21] =	ssyncadd.s32 $0xFFFFC000  }
0x6b: {  	[tilespmem:s20], [sflag:$0x3] =	stream.linear.gather [spmem:s9], $0x4000, $0x38;
	[tilespmem:$0x17D00] =	vst v63  }
0x6c: {  	_ =	swait.ge [sflag:s22], $0x4000  }
0x6d: {  	[sflag:s22] =	ssyncset.done $0x0  }
0x6e: {  	[sflag:s22] =	ssyncadd.s32 $0xFFFFC000  }
0x6f: {  	[hbm4b:s14+s3] =	stream.linear.scatter [tilespmem:s20], [sflag:$0x2], $0x4000, $0x38;
	[tilespmem:$0x17D00] =	vst v63  }
0x70: {  	_ =	swait.ge [sflag:s21], $0x4000  }
0x71: {  	[sflag:s21] =	ssyncset.done $0x0  }
0x72: {  	[sflag:s21] =	ssyncadd.s32 $0xFFFFC000  }
0x73: {  	[tilespmem:s20], [sflag:$0x3] =	stream.linear.gather [spmem:s10], $0x4000, $0x38;
	[tilespmem:$0x17D00] =	vst v63  }
0x74: {  	_ =	swait.ge [sflag:s22], $0x4000  }
0x75: {  	[sflag:s22] =	ssyncset.done $0x0  }
0x76: {  	[sflag:s22] =	ssyncadd.s32 $0xFFFFC000  }
0x77: {  	[hbm4b:s15+s3] =	stream.linear.scatter [tilespmem:s20], [sflag:$0x2], $0x4000, $0x38;
	[tilespmem:$0x17D00] =	vst v63  }
0x78: {  	_ =	swait.ge [sflag:s21], $0x4000  }
0x79: {  	[sflag:s21] =	ssyncset.done $0x0  }
0x7a: {  	[sflag:s21] =	ssyncadd.s32 $0xFFFFC000  }
0x7b: {  	[tilespmem:s20], [sflag:$0x3] =	stream.linear.gather [spmem:s11], $0x4000, $0x38;
	[tilespmem:$0x17D00] =	vst v63  }
0x7c: {  	_ =	swait.ge [sflag:s22], $0x4000  }
0x7d: {  	[sflag:s22] =	ssyncset.done $0x0  }
0x7e: {  	[sflag:s22] =	ssyncadd.s32 $0xFFFFC000  }
0x7f: {  	[hbm4b:s16+s3] =	stream.linear.scatter [tilespmem:s20], [sflag:$0x2], $0x4000, $0x38;
	[tilespmem:$0x17D00] =	vst v63  }
0x80: {  	_ =	swait.ge [sflag:s21], $0x4000  }
0x81: {  	[sflag:s21] =	ssyncset.done $0x0  }
0x82: {  	s1 =	simm.s32 @!p0 $0x3;
	s0 =	simm.s32 @!p0 $0x100;
	[sflag:s21] =	ssyncadd.s32 $0xFFFFC000  }
0x83: {  	[tilespmem:s0], [sflag:$0x3] =	stream.linear.gather @!p0 [spmem:s12], $0x4000, $0x38;
	[tilespmem:$0x17D00] =	vst v63  }
0x84: {  	_ =	swait.ge @!p0 [sflag:s1], $0x4000  }
0x85: {  	s23 =	sadd.s32 $0x1, s23;
	[sflag:s1] =	ssyncset.done @!p0 $0x0  }
0x86: {  	p1 =	sne.s32 s23, s7;
	[sflag:s1] =	ssyncadd.s32 @!p0 $0xFFFFC000;
	s1 =	simm.s32 @!p0 $0x0  }
0x87: {  	[hbm4b:s17+s1] =	stream.linear.scatter @!p0 [tilespmem:s0], [sflag:$0x2], $0x4000, $0x38;
	[tilespmem:$0x17D00] =	vst v63  }
.Ltmp1:
0x88: {  	_ = 	snop;
	(pc) =	sbr.rel @p1 .LBB2_1-.Ltmp1, $4  }
0x89: {  	s0 =	simm.s32 @!p0 $0x2  }
0x8a: {  	_ =	swait.ge @!p0 [sflag:s0], $0x4000  }
0x8b: {  	[sflag:s0] =	ssyncset.done @!p0 $0x0  }
0x8c: {  	[sflag:s0] =	ssyncadd.s32 @!p0 $0xFFFFC000  }
0x8d: {  	_ =	sfence.sel $0x180000  }
0x8e: {  	[bflag:$0x0] =	sbarrier.arrive $0xFFFF  }
0x8f: {  	_ =	strace $0x9000004A  }
0x90: {  	s0 =	stileid.u32;
	[bflag:$0x2] =	sbarrier.arrive $0xFFFF  }
0x91: {  	p0 =	sne.s32 s0, $0x0;
	s0 =	rddreg [dreg:$0x3]  }
0x92: {  	s0 =	sadd.s32 @!p0 $0x100000, s0  }
0x93: {  	[sflag:s0] =	ssyncadd.tile.s32 @!p0 $0x1;
	_ =	shalt  }
.Lfunc_end2:
_tile_overlayer_lowered:
.L_overlay_start_2:
0x94: {  	(tag) =	ssettag $0x2  }
0x95: {  	s0 =	rddreg [dreg:$0x0];
	s2 =	stileid.u32  }
0x96: {  	s1 =	rddreg [dreg:$0x1];
	p0 =	sne.s32 s2, $0x0  }
0x97: {  	s3 =	rddreg [dreg:$0x2];
	[bflag:$0x3] =	sbarrier.arrive $0xFFFF;
	s2 =	simm.s32 @!p0 $0x1C02  }
0x98: {  	[timem:s3], [sflag:s2] =	dma.local @!p0 [hbm:s0], s1  }
0x99: {  	s0 =	simm.s32 @!p0 $0x2  }
0x9a: {  	_ =	swait.ge @!p0 [sflag:s0], s1  }
0x9b: {  	s1 =	ssub.s32 @!p0 $0x0, s1;
	[sflag:s0] =	ssyncset.done @!p0 $0x0  }
0x9c: {  	[sflag:s0] =	ssyncadd.s32 @!p0 s1  }
0x9d: {  	[bflag:$0x3] =	sbarrier.arrive $0xFFFF  }
0x9e: {  	_ =	shalt  }

// kernel: kernel.7.cloned.1.call-start
scs
__scs_entry_jumppad:
0x0: {  	(pc) =	sbr.rel $0x88, $3  }
0x1: {  	(tag) =	ssettag $0x0;
	lr =	simm.s32 $0x1  }
0x2: {  	[smem:$0x3F97] =	sst lr;
	_ =	strace $0xD0000000  }
0x3: {  	_ = 	snop  }
0x4: {  	_ = 	snop  }
0x5: {  	_ = 	snop  }
0x6: {  	_ = 	snop  }
0x7: {  	_ = 	snop  }
__scs_overlays_trampoline_lowered:
0x8: {  	[smem:$0x3FA6] =	sst s0  }
0x9: {  	[smem:$0x3FA7] =	sst s1  }
0xa: {  	[smem:$0x3FA8] =	sst s2  }
0xb: {  	[smem:$0x3FA9] =	sst s3  }
0xc: {  	[smem:$0x3FAA] =	sst s4  }
0xd: {  	[smem:$0x3FAB] =	sst s5  }
0xe: {  	[smem:$0x3FAC] =	sst s6  }
0xf: {  	[smem:$0x3FAD] =	sst s7  }
0x10: {  	[smem:$0x3FAE] =	sst s8  }
0x11: {  	[smem:$0x3FAF] =	sst s9;
	s0 =	simm.s32 @!p0 $0x0  }
0x12: {  	s1 =	sld [smem:$0x3F95];
	s0 =	simm.s32 @p0 $0x1  }
0x13: {  	[smem:$0x3FB0] =	sst s0;
	s0 =	simm.s32 @!p1 $0x0  }
0x14: {  	s2 =	sld [smem:$0x3F94];
	s0 =	simm.s32 @p1 $0x1  }
0x15: {  	[smem:$0x3FB1] =	sst s0;
	s0 =	simm.s32 @!p2 $0x0  }
0x16: {  	s3 =	sld [smem:$0x3FDB];
	s0 =	simm.s32 @p2 $0x1  }
0x17: {  	s4 =	simm.s32 $0x1BF5;
	[smem:$0x3FB3] =	sst s0  }
0x18: {  	s0 =	sld [smem:$0x3F96];
	_ =	swait.ge [sflag:s4], $0x0  }
0x19: {  	s7 =	sld [smem:$0x3F97]  }
0x1a: {  	s8 =	sadd.s32 $0xFFFFE003, lr  }
0x1b: {  	s9 =	sadd.s32 $0xFFFFFEF7, lr;
	s5 =	simm.s32 $0xFFFFFFFF;
	p2 =	slt.u32 s8, $0xFFFFF086  }
0x1c: {  	p1 =	slt.u32 s9, $0xF7A;
	s5 =	simm.s32 @!p2 $0x0  }
0x1d: {  	s5 =	simm.s32 @p1 $0x1;
	p0 =	seq.s32 s7, s2  }
0x1e: {  	s7 =	smul.u32 @!p0 $0xF7A, s2;
	p2 =	seq.s32 @!p0 s5, $0x0  }
0x1f: {  	s9 =	smul.u32 $0xF7A, s1;
	s8 =	simm.s32 @!p0 $0x1BF5;
	p2 =	por !p2, p0  }
0x20: {  	[sflag:s8] =	ssyncset.s32 @!p0 $0xFFFFF086;
	s6 =	sadd.s32 @!p0 s3, s7;
	s7 =	simm.s32 @!p0 $0x108  }
0x21: {  	s3 =	sadd.s32 s3, s9;
	s6 =	sadd.s32 @!p0 $0x88, s6;
	s7 =	simm.s32 @p2 $0x1082  }
0x22: {  	[simem:s7], [sflag:s8] =	dma.local @!p0 [hbm:s6], $0xF7A  }
0x23: {  	s9 =	sor.u32 $0xD0000000, s2;
	s6 =	simm.s32 $0x108;
	_ =	swait.ge @!p0 [sflag:s8], $0x0  }
0x24: {  	s3 =	sadd.s32 $0x88, s3;
	s6 =	simm.s32 @!p1 $0x1082;
	[sflag:s4] =	ssyncset.s32 $0xFFFFF086  }
0x25: {  	[simem:s6], [sflag:s4] =	dma.local [hbm:s3], $0xF7A  }
0x26: {  	[smem:$0x3F97] =	sst s1;
	(tag) =	ssettag s2;
	_ =	strace s9  }
0x27: {  	s1 =	sld [smem:$0x3FA7]  }
0x28: {  	s2 =	sld [smem:$0x3FA8]  }
0x29: {  	s4 =	sld [smem:$0x3FAA]  }
0x2a: {  	p0 =	seq.s32 s5, $0x0;
	s5 =	sld [smem:$0x3FAB]  }
0x2b: {  	s6 =	sld [smem:$0x3FAC]  }
0x2c: {  	s7 =	sld [smem:$0x3FAD]  }
0x2d: {  	s3 =	simm.s32 $0x108;
	s8 =	sld [smem:$0x3FAE]  }
0x2e: {  	s3 =	simm.s32 @!p0 $0x1082;
	s9 =	sld [smem:$0x3FAF]  }
0x2f: {  	lr =	sadd.s32 s0, s3;
	s0 =	sld [smem:$0x3FA6]  }
0x30: {  	s3 =	sld [smem:$0x3FA9]  }
0x31: {  	[smem:$0x3FB2] =	sst s10  }
0x32: {  	s10 =	sld [smem:$0x3FB0];
	_ =	sdelay $0x3  }
0x33: {  	p0 =	seq.s32 s10, $0x1;
	s10 =	sld [smem:$0x3FB2];
	_ =	sdelay $0x3  }
0x34: {  	[smem:$0x3FB2] =	sst s10  }
0x35: {  	s10 =	sld [smem:$0x3FB1];
	_ =	sdelay $0x3  }
0x36: {  	p1 =	seq.s32 s10, $0x1;
	s10 =	sld [smem:$0x3FB2];
	_ =	sdelay $0x3  }
0x37: {  	[smem:$0x3FB2] =	sst s10  }
0x38: {  	s10 =	sld [smem:$0x3FB3]  }
0x39: {  	_ = 	snop;
	(pc) =	sbr.ind lr, $3  }
0x3a: {  	_ = 	snop  }
0x3b: {  	_ = 	snop  }
0x3c: {  	p2 =	seq.s32 s10, $0x1;
	s10 =	sld [smem:$0x3FB2]  }
0x3d: {  	_ =	shalt  }
0x3e: {  	_ =	shalt  }
0x3f: {  	_ =	shalt  }
0x40: {  	_ =	shalt  }
0x41: {  	_ =	shalt  }
0x42: {  	_ =	shalt  }
0x43: {  	_ =	shalt  }
0x44: {  	_ =	shalt  }
0x45: {  	_ =	shalt  }
0x46: {  	_ =	shalt  }
0x47: {  	_ =	shalt  }
0x48: {  	_ =	shalt  }
0x49: {  	_ =	shalt  }
0x4a: {  	_ =	shalt  }
0x4b: {  	_ =	shalt  }
0x4c: {  	_ =	shalt  }
0x4d: {  	_ =	shalt  }
0x4e: {  	_ =	shalt  }
0x4f: {  	_ =	shalt  }
0x50: {  	_ =	shalt  }
0x51: {  	_ =	shalt  }
0x52: {  	_ =	shalt  }
0x53: {  	_ =	shalt  }
0x54: {  	_ =	shalt  }
0x55: {  	_ =	shalt  }
0x56: {  	_ =	shalt  }
0x57: {  	_ =	shalt  }
0x58: {  	_ =	shalt  }
0x59: {  	_ =	shalt  }
0x5a: {  	_ =	shalt  }
0x5b: {  	_ =	shalt  }
0x5c: {  	_ =	shalt  }
0x5d: {  	_ =	shalt  }
0x5e: {  	_ =	shalt  }
0x5f: {  	_ =	shalt  }
0x60: {  	_ =	shalt  }
0x61: {  	_ =	shalt  }
0x62: {  	_ =	shalt  }
0x63: {  	_ =	shalt  }
0x64: {  	_ =	shalt  }
0x65: {  	_ =	shalt  }
0x66: {  	_ =	shalt  }
0x67: {  	_ =	shalt  }
0x68: {  	_ =	shalt  }
0x69: {  	_ =	shalt  }
0x6a: {  	_ =	shalt  }
0x6b: {  	_ =	shalt  }
0x6c: {  	_ =	shalt  }
0x6d: {  	_ =	shalt  }
0x6e: {  	_ =	shalt  }
0x6f: {  	_ =	shalt  }
0x70: {  	_ =	shalt  }
0x71: {  	_ =	shalt  }
0x72: {  	_ =	shalt  }
0x73: {  	_ =	shalt  }
0x74: {  	_ =	shalt  }
0x75: {  	_ =	shalt  }
0x76: {  	_ =	shalt  }
0x77: {  	_ =	shalt  }
0x78: {  	_ =	shalt  }
0x79: {  	_ =	shalt  }
0x7a: {  	_ =	shalt  }
0x7b: {  	_ =	shalt  }
0x7c: {  	_ =	shalt  }
0x7d: {  	_ =	shalt  }
0x7e: {  	_ =	shalt  }
0x7f: {  	_ =	shalt  }
0x80: {  	_ =	shalt  }
0x81: {  	_ =	shalt  }
0x82: {  	_ =	shalt  }
0x83: {  	_ =	shalt  }
0x84: {  	_ =	shalt  }
0x85: {  	_ =	shalt  }
0x86: {  	_ =	shalt  }
0x87: {  	_ =	shalt  }
.Lfunc_end0:
.L_simem_size_0:
called_computation_lowered:
.L_overlay_start_0:
0x88: {  	s2 =	sld [smem:$0x3FD9]  }
0x89: {  	s3 =	sld [smem:$0x3FFE];
	_ =	sdelay $0x1  }
0x8a: {  	s1 =	srdreg.scid  }
0x8b: {  	s0 =	sand.u32 $0x1, s1  }
0x8c: {  	s17 =	sshll.u32 s0, $0xA;
	s2 =	sadd.s32 s3, s2  }
0x8d: {  	s2 =	sadd.s32 s2, s17  }
0x8e: {  	[smem:$0x3FBE] =	sst s2  }
0x8f: {  	_ = 	snop  }
0x90: {  	s2 =	sld [smem:$0x3FD0];
	(tm) =	ssettm $0x1  }
0x91: {  	s18 =	sld [smem:$0x3FFB];
	_ =	sdelay $0x3  }
0x92: {  	_ =	strace s18  }
0x93: {  	s3 =	sld [smem:$0x3FFC];
	_ =	sdelay $0x3  }
0x94: {  	_ =	strace s3  }
0x95: {  	s3 =	sld [smem:$0x3FFD];
	_ =	sdelay $0x3  }
0x96: {  	_ =	strace s3  }
0x97: {  	_ =	strace $0x8FFFFFFF  }
0x98: {  	s19 =	sld [smem:$0x3FDB];
	_ =	sdelay $0x1  }
0x99: {  	s4 =	simm.s32 $_scs_section_size  }
0x9a: {  	s5 =	simm.s32 $_size__tile_overlayer_lowered;
	s6 =	simm.s32 $_tile_overlayer_lowered  }
0x9b: {  	s22 =	simm.s32 $0x1BFF;
	s21 =	sshll.u32 s6, $0x1;
	s3 =	sadd.s32 s4, s19  }
0x9c: {  	s7 =	simm.s32 $0x0;
	s20 =	sshll.u32 s5, $0x1;
	s5 =	sadd.s32 s21, s3  }
0x9d: {  	[timem:s7], [sflag:s22] =	dma.local [hbm:s5], s20  }
0x9e: {  	_ =	swait.ge [sflag:s22], s20  }
0x9f: {  	s4 =	ssub.s32 $0x0, s20;
	[sflag:s22] =	ssyncset.done $0x0  }
0xa0: {  	[sflag:s22] =	ssyncadd.s32 s4;
	_ =	sdelay $0x1  }
0xa1: {  	s23 =	simm.s32 $0x1B8B  }
0xa2: {  	_ =	swait.ge [sflag:s23], $0x1  }
0xa3: {  	[sflag:s23] =	ssyncset.done $0x0  }
0xa4: {  	s25 =	simm.s32 $0x1B8E;
	s24 =	sld [smem:$0x3FFE];
	[sflag:s23] =	ssyncadd.s32 $0xFFFFFFFF  }
0xa5: {  	s26 =	simm.s32 $execute0_lowered;
	[smem:$0x3FD2] =	sst s25  }
0xa6: {  	s5 =	sshll.u32 s26, $0x1;
	_ =	strace $0x80000046;
	[dreg:$0x1] =	wrdreg $0xFFFFFFFF  }
0xa7: {  	s28 =	simm.s32 $_size_execute0_lowered;
	s3 =	sadd.s32 s3, s5;
	[dreg:$0x0] =	wrdreg $0x0  }
0xa8: {  	s5 =	sshll.u32 s28, $0x1;
	[dreg:$0x2] =	wrdreg s3  }
0xa9: {  	[dreg:$0x3] =	wrdreg s5  }
0xaa: {  	[dreg:$0x4] =	wrdreg $0xC0  }
0xab: {  	_ =	task [dreg:s7], $0x5FFFF  }
0xac: {  	[dreg:$0x1] =	wrdreg $0xFFFFFFFF  }
0xad: {  	[dreg:$0x0] =	wrdreg $0x60  }
0xae: {  	[dreg:$0x2] =	wrdreg s24  }
0xaf: {  	[dreg:$0x3] =	wrdreg s2  }
0xb0: {  	[dreg:$0x4] =	wrdreg $0x41000  }
0xb1: {  	[dreg:$0x5] =	wrdreg $0x9  }
0xb2: {  	_ =	task.clear_ibuf [dreg:s7], $0x6FFFF;
	_ =	strace $0x90000046  }
0xb3: {  	s29 =	simm.s32 $0x9;
	_ =	strace $0x80000048  }
0xb4: {  	_ =	swait.ge [sflag:s29], $0x1  }
0xb5: {  	[sflag:s29] =	ssyncadd.s32 $0xFFFFFFFF  }
0xb6: {  	_ =	strace $0x90000048  }
0xb7: {  	_ =	sfence  }
0xb8: {  	s30 =	sld [smem:$0x0];
	_ =	sdelay $0x2  }
0xb9: {  	s31 =	sshll.u32 s1, $0xD;
	s1 =	sshrl.u32 s1, $0x2  }
0xba: {  	s3 =	sand.u32 $0x4000, s31;
	s1 =	sadd.s32 s1, s30  }
0xbb: {  	s0 =	sor.u32 s3, s0;
	s1 =	sshll.u32 s1, $0x11  }
0xbc: {  	s0 =	sor.u32 s1, s0  }
0xbd: {  	s0 =	sadd.s32 $0x8F2B, s0  }
0xbe: {  	[sflag:s0] =	ssyncadd.remote.s32 $0x1  }
0xbf: {  	_ =	sfence.sel $0xFFFF  }
0xc0: {  	[dreg:$0x0] =	wrdreg $0xFFFFFFFF;
	(pc) =	sbr.abs _section_cstart, $3  }
0xc1: {  	[dreg:$0x1] =	wrdreg $0xFFFFFFFF  }
0xc2: {  	_ =	task.clear_ibuf [dreg:s7], $0x2FFFF;
	_ =	strace $0x9FFFFFFF  }
0xc3: {  	(tm) =	ssettm $0x7FFFFFFF  }
tec
execute0_lowered:
.L_overlay_start_1:
0x0: {  	(tag) =	ssettag $0x1  }
0x1: {  	s6 =	rddreg [dreg:$0x0]  }
0x2: {  	s20 =	rddreg [dreg:$0x1]  }
0x3: {  	s2 =	rddreg [dreg:$0x2]  }
0x4: {  	s4 =	srdreg.scid;
	s0 =	stileid.u32;
	s3 =	simm.s32 $0x0  }
0x5: {  	s28 =	simm.s32 $0x0;
	s7 =	sand.u32 $0x1, s4;
	s24 =	smul.u32 $0x4F00, s0  }
0x6: {  	s9 =	sshrl.u32 s0, $0x3;
	[smem:$0x7FF] =	sst s3;
	s25 =	sshll.u32 s0, $0x7  }
0x7: {  	s18 =	sadd.s32 $0x5AC00, s6;
	s13 =	sshll.u32 s0, $0xE;
	s8 =	smul.u32 $0x27800, s7  }
0x8: {  	s5 =	ssub.s32 $0x0, s7;
	s9 =	smul.u32 $0x13C00, s9;
	_ =	strace $0x80000047  }
0x9: {  	s26 =	ssub.s32 $0x2, s7;
	p0 =	seq.s32 s7, $0x0;
	s16 =	smul.u32 $0x13C000, s7  }
0xa: {  	s14 =	sor.u32 $0x40000, s13;
	s17 =	sor.u32 $0x80000, s13;
	s22 =	sor.u32 $0xC0000, s13  }
0xb: {  	s23 =	sor.u32 $0x100000, s13;
	s5 =	sand.u32 $0x2F80, s5;
	s29 =	sshrl.u32 s26, $0x1  }
0xc: {  	s10 =	sadd.s32 s14, s2;
	s11 =	sadd.s32 s17, s2;
	s12 =	sadd.s32 s22, s2  }
0xd: {  	s4 =	sadd.s32 s24, s5;
	s8 =	sadd.s32 s8, s9;
	s5 =	sand.u32 $0x380, s25  }
0xe: {  	s9 =	ssub.s32 s26, s29;
	s15 =	sadd.s32 s16, s13;
	s14 =	sadd.s32 s16, s14  }
0xf: {  	s17 =	sadd.s32 s16, s17;
	s22 =	sadd.s32 s16, s22;
	s26 =	simm.s32 $0x17D00  }
0x10: {  	s21 =	sshrl.u32 s4, $0x3;
	s4 =	sadd.s32 $0xC000, s6;
	s8 =	sor.u32 s5, s8  }
0x11: {  	s5 =	sadd.s32 $0x5A400, s6;
	s15 =	sshrl.u32 s15, $0x3;
	s24 =	sshrl.u32 s14, $0x3  }
0x12: {  	s17 =	sshrl.u32 s17, $0x3;
	s30 =	sshrl.u32 s22, $0x3;
	s22 =	simm.s32 $0x2  }
0x13: {  	s19 =	sadd.s32 s21, s6;
	s8 =	sshrl.u32 s8, $0x3;
	s14 =	sadd.s32 s18, s15  }
0x14: {  	s15 =	sadd.s32 s18, s24;
	s20 =	sadd.s32 s21, s20;
	s21 =	simm.s32 $0x100  }
0x15: {  	s8 =	sadd.s32 s8, s6;
	s6 =	simm.s32 $0x5F;
	s19 =	sadd.s32 $0x2200, s19  }
0x16: {  	s6 =	simm.s32 @!p0 $0x3F;
	s7 =	sadd.s32 $0xA9C00, s8;
	s8 =	smax.u32 s9, $0x1  }
0x17: {  	s9 =	sadd.s32 s13, s2;
	s13 =	sadd.s32 s23, s2;
	s23 =	sadd.s32 s16, s23  }
0x18: {  	s16 =	sadd.s32 s18, s17;
	s17 =	sadd.s32 s18, s30;
	s31 =	sshrl.u32 s23, $0x3  }
0x19: {  	v0 =	vimm.f32 $0.0e+00;
	p0 =	seq.s32 s0, $0xF;
	s23 =	simm.s32 $0x3;
	s18 =	sadd.s32 s18, s31  }
.LBB2_1:
0x1a: {  	[tilespmem:s21], [sflag:$0x2] =	stream.linear.gather [hbm4b:s5+s3], $0x4000, $0x38;
	[tilespmem:$0x1A480] =	vst v63  }
0x1b: {  	_ =	swait.ge [sflag:s22], $0x4000  }
0x1c: {  	[sflag:s22] =	ssyncset.done $0x0  }
0x1d: {  	[sflag:s22] =	ssyncadd.s32 $0xFFFFC000  }
0x1e: {  	[spmem:s9] =	stream.linear.scatter [tilespmem:s21], [sflag:$0x2], $0x4000, $0x38;
	[tilespmem:$0x1A480] =	vst v63  }
0x1f: {  	_ =	swait.ge [sflag:s22], $0x4000  }
0x20: {  	[sflag:s22] =	ssyncset.done $0x0  }
0x21: {  	[sflag:s22] =	ssyncadd.s32 $0xFFFFC000  }
0x22: {  	[spmem:s10] =	stream.linear.scatter [tilespmem:s21], [sflag:$0x2], $0x4000, $0x38;
	[tilespmem:$0x1A480] =	vst v63  }
0x23: {  	_ =	swait.ge [sflag:s22], $0x4000  }
0x24: {  	[sflag:s22] =	ssyncset.done $0x0  }
0x25: {  	[sflag:s22] =	ssyncadd.s32 $0xFFFFC000  }
0x26: {  	[spmem:s11] =	stream.linear.scatter [tilespmem:s21], [sflag:$0x2], $0x4000, $0x38;
	[tilespmem:$0x1A480] =	vst v63  }
0x27: {  	_ =	swait.ge [sflag:s22], $0x4000  }
0x28: {  	[sflag:s22] =	ssyncset.done $0x0  }
0x29: {  	[sflag:s22] =	ssyncadd.s32 $0xFFFFC000  }
0x2a: {  	[spmem:s12] =	stream.linear.scatter [tilespmem:s21], [sflag:$0x2], $0x4000, $0x38;
	[tilespmem:$0x1A480] =	vst v63  }
0x2b: {  	_ =	swait.ge [sflag:s22], $0x4000  }
0x2c: {  	[sflag:s22] =	ssyncset.done $0x0  }
0x2d: {  	s29 =	simm.s32 @!p0 $0x100;
	[sflag:s22] =	ssyncadd.s32 $0xFFFFC000  }
0x2e: {  	[spmem:s13] =	stream.linear.scatter @!p0 [tilespmem:s29], [sflag:$0x2], $0x4000, $0x38;
	[tilespmem:$0x1A480] =	vst v63  }
0x2f: {  	s29 =	simm.s32 @!p0 $0x2  }
0x30: {  	_ =	swait.ge @!p0 [sflag:s29], $0x4000  }
0x31: {  	[sflag:s29] =	ssyncset.done @!p0 $0x0  }
0x32: {  	s30 =	simm.s32 $0x0;
	[sflag:s29] =	ssyncadd.s32 @!p0 $0xFFFFC000;
	s29 =	simm.s32 $0x40  }
.LBB2_2:
0x33: {  	p1 =	sne.s32 s29, $0x9DC0;
	[tilespmem:s30+$0x17D00] =	vst v0;
	s30 =	smov.u32 s29;
	s29 =	sadd.s32 $0x40, s29  }
.Ltmp0:
0x34: {  	(pc) =	sbr.rel @p1 .LBB2_2-.Ltmp0, $2  }
0x35: {  	_ =	sdelay $0x2  }
0x36: {  	s30 =	sshra.s32 s30, $0x2  }
0x37: {  	[tilespmem:s30+$0x17D00] =	vst v0;
	s29 =	simm.s32 $0x0  }
0x38: {  	s30 =	smov.u32 s20;
	s31 =	smov.u32 s19;
	[bflag:$0x0] =	sbarrier.arrive $0xFFFF  }
.LBB2_4:
0x39: {  	p1 =	sge.u32 s29, s6  }
0x3a: {  	s0 =	simm.s32 @!p1 $0x0;
	s1 =	simm.s32 @!p1 $0x3  }
0x3b: {  	[tilespmem:s0], [sflag:$0x3] =	stream.linear.gather @!p1 [hbm4b:s30+s0], $0x80, $0x38;
	[tilespmem:$0x1A480] =	vst v63  }
0x3c: {  	_ =	swait.ge @!p1 [sflag:s1], $0x80  }
0x3d: {  	[sflag:s1] =	ssyncset.done @!p1 $0x0  }
0x3e: {  	s24 =	simm.s32 @!p1 $0x80;
	s25 =	simm.s32 @!p1 $0x100;
	[sflag:s1] =	ssyncadd.s32 @!p1 $0xFFFFFF80  }
0x3f: {  	[tilespmem:s25], [sflag:$0x1] =	stream.indirect.gather @!p1 [hbm4b:s4+s24], $0x80, s0, s24, $0xb8;
	[tilespmem:$0x1A480] =	vst v63  }
0x40: {  	_ = 	snop  }
0x41: {  	[tilespmem:s24], [sflag:$0x3] =	stream.linear.gather @!p1 [hbm4b:s31+s0], $0x80, $0x38;
	[tilespmem:$0x1A480] =	vst v63  }
0x42: {  	_ =	swait.ge @!p1 [sflag:s1], $0x80  }
0x43: {  	[sflag:s1] =	ssyncset.done @!p1 $0x0  }
0x44: {  	[sflag:s1] =	ssyncadd.s32 @!p1 $0xFFFFFF80  }
0x45: {  	v1 =	vld @!p1 [tilespmem:$0x80];
	_ =	sdelay $0x6  }
0x46: {  	v2 =	vimm.f32 @!p1 $1.000000000e+00;
	s0 =	simm.s32 @!p1 $0x17D00  }
0x47: {  	[tilespmem:v1+s0+$0x0] =	vst.idx.add.f32.msk @!p1 $0xffff, v2  }
0x48: {  	v1 =	vld @!p1 [tilespmem:$0x90];
	_ =	sdelay $0x7  }
0x49: {  	[tilespmem:v1+s0+$0x0] =	vst.idx.add.f32.msk @!p1 $0xffff, v2  }
0x4a: {  	v1 =	vld @!p1 [tilespmem:$0xA0];
	_ =	sdelay $0x7  }
0x4b: {  	[tilespmem:v1+s0+$0x0] =	vst.idx.add.f32.msk @!p1 $0xffff, v2  }
0x4c: {  	v1 =	vld @!p1 [tilespmem:$0xB0];
	_ =	sdelay $0x7  }
0x4d: {  	[tilespmem:v1+s0+$0x0] =	vst.idx.add.f32.msk @!p1 $0xffff, v2  }
0x4e: {  	v1 =	vld @!p1 [tilespmem:$0xC0];
	_ =	sdelay $0x7  }
0x4f: {  	[tilespmem:v1+s0+$0x0] =	vst.idx.add.f32.msk @!p1 $0xffff, v2  }
0x50: {  	v1 =	vld @!p1 [tilespmem:$0xD0];
	_ =	sdelay $0x7  }
0x51: {  	[tilespmem:v1+s0+$0x0] =	vst.idx.add.f32.msk @!p1 $0xffff, v2  }
0x52: {  	v1 =	vld @!p1 [tilespmem:$0xE0];
	_ =	sdelay $0x7  }
0x53: {  	[tilespmem:v1+s0+$0x0] =	vst.idx.add.f32.msk @!p1 $0xffff, v2  }
0x54: {  	v1 =	vld @!p1 [tilespmem:$0xF0];
	_ =	sdelay $0x7  }
0x55: {  	[tilespmem:v1+s0+$0x0] =	vst.idx.add.f32.msk @!p1 $0xffff, v2;
	s0 =	simm.s32 @!p1 $0x1  }
0x56: {  	s29 =	sadd.s32 $0x1, s29;
	_ =	swait.ge @!p1 [sflag:s0], $0x4000  }
0x57: {  	p2 =	sne.s32 s29, $0x5F;
	[sflag:s0] =	ssyncset.done @!p1 $0x0  }
.Ltmp1:
0x58: {  	[sflag:s0] =	ssyncadd.s32 @!p1 $0xFFFFC000;
	s0 =	simm.s32 @!p1 $0x2;
	(pc) =	sbr.rel @p2 .LBB2_4-.Ltmp1, $4  }
0x59: {  	[spmem:s2] =	stream.indirect.scatter.add.f32 @!p1 [tilespmem:s25], [sflag:$0x2], $0x80, s24, s24, $0xb8;
	[tilespmem:$0x1A480] =	vst v63  }
0x5a: {  	_ =	swait.ge @!p1 [sflag:s0], $0x4000  }
0x5b: {  	[sflag:s0] =	ssyncset.done @!p1 $0x0  }
0x5c: {  	s30 =	sadd.s32 $0x10, s30;
	s31 =	sadd.s32 $0x10, s31;
	[sflag:s0] =	ssyncadd.s32 @!p1 $0xFFFFC000  }
0x5d: {  	[bflag:$0x0] =	sbarrier.arrive $0xFFFF  }
0x5e: {  	[tilespmem:s21], [sflag:$0x3] =	stream.linear.gather [spmem:s9], $0x4000, $0x38;
	[tilespmem:$0x1A480] =	vst v63  }
0x5f: {  	_ =	swait.ge [sflag:s23], $0x4000  }
0x60: {  	[sflag:s23] =	ssyncset.done $0x0  }
0x61: {  	[sflag:s23] =	ssyncadd.s32 $0xFFFFC000  }
0x62: {  	[hbm4b:s14+s3] =	stream.linear.scatter [tilespmem:s21], [sflag:$0x2], $0x4000, $0x38;
	[tilespmem:$0x1A480] =	vst v63  }
0x63: {  	_ =	swait.ge [sflag:s22], $0x4000  }
0x64: {  	[sflag:s22] =	ssyncset.done $0x0  }
0x65: {  	[sflag:s22] =	ssyncadd.s32 $0xFFFFC000  }
0x66: {  	[tilespmem:s21], [sflag:$0x3] =	stream.linear.gather [spmem:s10], $0x4000, $0x38;
	[tilespmem:$0x1A480] =	vst v63  }
0x67: {  	_ =	swait.ge [sflag:s23], $0x4000  }
0x68: {  	[sflag:s23] =	ssyncset.done $0x0  }
0x69: {  	[sflag:s23] =	ssyncadd.s32 $0xFFFFC000  }
0x6a: {  	[hbm4b:s15+s3] =	stream.linear.scatter [tilespmem:s21], [sflag:$0x2], $0x4000, $0x38;
	[tilespmem:$0x1A480] =	vst v63  }
0x6b: {  	_ =	swait.ge [sflag:s22], $0x4000  }
0x6c: {  	[sflag:s22] =	ssyncset.done $0x0  }
0x6d: {  	[sflag:s22] =	ssyncadd.s32 $0xFFFFC000  }
0x6e: {  	[tilespmem:s21], [sflag:$0x3] =	stream.linear.gather [spmem:s11], $0x4000, $0x38;
	[tilespmem:$0x1A480] =	vst v63  }
0x6f: {  	_ =	swait.ge [sflag:s23], $0x4000  }
0x70: {  	[sflag:s23] =	ssyncset.done $0x0  }
0x71: {  	[sflag:s23] =	ssyncadd.s32 $0xFFFFC000  }
0x72: {  	[hbm4b:s16+s3] =	stream.linear.scatter [tilespmem:s21], [sflag:$0x2], $0x4000, $0x38;
	[tilespmem:$0x1A480] =	vst v63  }
0x73: {  	_ =	swait.ge [sflag:s22], $0x4000  }
0x74: {  	[sflag:s22] =	ssyncset.done $0x0  }
0x75: {  	[sflag:s22] =	ssyncadd.s32 $0xFFFFC000  }
0x76: {  	[tilespmem:s21], [sflag:$0x3] =	stream.linear.gather [spmem:s12], $0x4000, $0x38;
	[tilespmem:$0x1A480] =	vst v63  }
0x77: {  	_ =	swait.ge [sflag:s23], $0x4000  }
0x78: {  	[sflag:s23] =	ssyncset.done $0x0  }
0x79: {  	[sflag:s23] =	ssyncadd.s32 $0xFFFFC000  }
0x7a: {  	[hbm4b:s17+s3] =	stream.linear.scatter [tilespmem:s21], [sflag:$0x2], $0x4000, $0x38;
	[tilespmem:$0x1A480] =	vst v63  }
0x7b: {  	_ =	swait.ge [sflag:s22], $0x4000  }
0x7c: {  	[sflag:s22] =	ssyncset.done $0x0  }
0x7d: {  	s0 =	simm.s32 @!p0 $0x100;
	s1 =	simm.s32 @!p0 $0x3;
	[sflag:s22] =	ssyncadd.s32 $0xFFFFC000  }
0x7e: {  	[tilespmem:s0], [sflag:$0x3] =	stream.linear.gather @!p0 [spmem:s13], $0x4000, $0x38;
	[tilespmem:$0x1A480] =	vst v63  }
0x7f: {  	_ =	swait.ge @!p0 [sflag:s1], $0x4000  }
0x80: {  	[sflag:s1] =	ssyncset.done @!p0 $0x0  }
0x81: {  	[sflag:s1] =	ssyncadd.s32 @!p0 $0xFFFFC000;
	s1 =	simm.s32 @!p0 $0x0  }
0x82: {  	[hbm4b:s18+s1] =	stream.linear.scatter @!p0 [tilespmem:s0], [sflag:$0x2], $0x4000, $0x38;
	[tilespmem:$0x1A480] =	vst v63  }
0x83: {  	s0 =	simm.s32 @!p0 $0x2  }
0x84: {  	s28 =	sadd.s32 $0x1, s28;
	_ =	swait.ge @!p0 [sflag:s0], $0x4000  }
0x85: {  	s30 =	simm.s32 $0x80;
	p1 =	sne.s32 s28, s8;
	[sflag:s0] =	ssyncset.done @!p0 $0x0  }
.Ltmp2:
0x86: {  	s31 =	simm.s32 $0x400;
	[sflag:s0] =	ssyncadd.s32 @!p0 $0xFFFFC000;
	(pc) =	sbr.rel @p1 .LBB2_1-.Ltmp2, $4  }
0x87: {  	[hbm4b:s7+s30] =	stream.strided.scatter [tilespmem:s26], [sflag:$0x2], $0x2780, s31, s30, $0x38;
	[tilespmem:$0x1A480] =	vst v63  }
0x88: {  	_ =	swait.ge [sflag:s22], $0x2780  }
0x89: {  	[sflag:s22] =	ssyncset.done $0x0  }
0x8a: {  	[sflag:s22] =	ssyncadd.s32 $0xFFFFD880  }
0x8b: {  	_ =	sfence.sel $0x180000  }
0x8c: {  	[bflag:$0x0] =	sbarrier.arrive $0xFFFF  }
0x8d: {  	_ =	strace $0x90000047  }
0x8e: {  	s0 =	stileid.u32;
	[bflag:$0x2] =	sbarrier.arrive $0xFFFF  }
0x8f: {  	p0 =	sne.s32 s0, $0x0;
	s0 =	rddreg [dreg:$0x3]  }
0x90: {  	s0 =	sadd.s32 @!p0 $0x100000, s0  }
0x91: {  	[sflag:s0] =	ssyncadd.tile.s32 @!p0 $0x1;
	_ =	shalt  }
.Lfunc_end2:
_tile_overlayer_lowered:
.L_overlay_start_2:
0x92: {  	(tag) =	ssettag $0x2  }
0x93: {  	s0 =	rddreg [dreg:$0x0];
	s2 =	stileid.u32  }
0x94: {  	s1 =	rddreg [dreg:$0x1];
	p0 =	sne.s32 s2, $0x0  }
0x95: {  	s3 =	rddreg [dreg:$0x2];
	[bflag:$0x3] =	sbarrier.arrive $0xFFFF;
	s2 =	simm.s32 @!p0 $0x1C02  }
0x96: {  	[timem:s3], [sflag:s2] =	dma.local @!p0 [hbm:s0], s1  }
0x97: {  	s0 =	simm.s32 @!p0 $0x2  }
0x98: {  	_ =	swait.ge @!p0 [sflag:s0], s1  }
0x99: {  	s1 =	ssub.s32 @!p0 $0x0, s1;
	[sflag:s0] =	ssyncset.done @!p0 $0x0  }
0x9a: {  	[sflag:s0] =	ssyncadd.s32 @!p0 s1  }
0x9b: {  	[bflag:$0x3] =	sbarrier.arrive $0xFFFF  }
0x9c: {  	_ =	shalt  }

</sc_bundles>
